<compile_context>
chip_gen: v7x
topology: tpu7x:2x2x1
jax: 0.10.2.dev20260603
libtpu: 0.0.44.dev20260713+nightly
codegen_flags: <defaults>
</compile_context>

<pallas_src>
import functools

import jax
import jax.numpy as jnp
from jax import lax
from jax.experimental import pallas as pl
from jax.experimental.pallas import tpu as pltpu
from jax.experimental.pallas import tpu_sc as plsc

_N_ROWS = 16384
_D = 4096
_NC = 2
_NS = 16
_L = 16
_NW = _NC * _NS
_ROWS_PER_W = _N_ROWS // _NW
_RBLK = 8
_NBLK = _ROWS_PER_W // _RBLK
_NQ = 2
_QCOL = _D // _NQ
_QCHUNK = _QCOL // _L
_NBUF = 2


def _make_sc_perm():
    mesh = plsc.VectorSubcoreMesh(core_axis_name="c", subcore_axis_name="s")

    @functools.partial(
        pl.kernel,
        mesh=mesh,
        compiler_params=pltpu.CompilerParams(needs_layout_passes=False),
        out_type=jax.ShapeDtypeStruct((_N_ROWS, _D), jnp.float32),
        scratch_types=(
            [pltpu.VMEM((_D,), jnp.int32)]
            + [pltpu.VMEM((_RBLK, _D), jnp.float32) for _ in range(_NBUF)]
            + [pltpu.VMEM((_RBLK, _QCOL), jnp.float32) for _ in range(_NBUF)]
            + [pltpu.SemaphoreType.DMA for _ in range(2 * _NBUF)]
        ),
    )
    def k(x_hbm, perm_hbm, out_hbm, perm_v, *rest):
        in_v = rest[:_NBUF]
        out_v = rest[_NBUF:2 * _NBUF]
        in_sem = rest[2 * _NBUF:3 * _NBUF]
        out_sem = rest[3 * _NBUF:]
        wid = lax.axis_index("s") * _NC + lax.axis_index("c")
        base = wid * _ROWS_PER_W
        pltpu.sync_copy(perm_hbm, perm_v)

        row_ids = [jnp.full((_L,), r, dtype=jnp.int32) for r in range(_RBLK)]

        def in_copy(b, k_):
            row0 = base + b * _RBLK
            return pltpu.make_async_copy(
                x_hbm.at[pl.ds(row0, _RBLK)], in_v[k_], in_sem[k_])

        def out_copy(b, q, ok):
            row0 = base + b * _RBLK
            return pltpu.make_async_copy(
                out_v[ok],
                out_hbm.at[pl.ds(row0, _RBLK), pl.ds(q * _QCOL, _QCOL)],
                out_sem[ok])

        def compute_quarter(ik, q, ok):
            @plsc.parallel_loop(0, _QCHUNK, unroll=2)
            def _chunk(j):
                idx = perm_v[pl.ds((q * _QCHUNK + j) * _L, _L)]
                for r in range(_RBLK):
                    out_v[ok][r, pl.ds(j * _L, _L)] = plsc.load_gather(
                        in_v[ik], [row_ids[r], idx])

        in_copy(0, 0).start()

        def outer(b2, carry):
            b0 = b2 * _NBUF
            for k_ in range(_NBUF):
                b = b0 + k_
                nk = (k_ + 1) % _NBUF

                @pl.when(b + 1 < _NBLK)
                def _():
                    in_copy(b + 1, nk).start()

                in_copy(b, k_).wait()

                for q in range(_NQ):
                    ok = q % _NBUF

                    @pl.when(b > 0)
                    def _():
                        out_copy(b, q, ok).wait()

                    compute_quarter(k_, q, ok)
                    out_copy(b, q, ok).start()
            return carry

        lax.fori_loop(0, _NBLK // _NBUF, outer, 0)
        for ok in range(_NBUF):
            out_copy(_NBLK - 1, _NQ - _NBUF + ok, ok).wait()

    return k


_sc_perm = _make_sc_perm()


def kernel(x, perm):
    out = _sc_perm(x, perm)
    return (out, 0)

# --- scband reference (transcript-rebuilt; emitter-appended) ---
"""Pipeline reference for scband-rand-perm-61065845014731 (READ-ONLY COPY).

The authoritative reference and input builder live on the scoring server;
editing this copy changes nothing except your own understanding.
"""

import jax, jax.numpy as jnp
import numpy as np

D_MODEL = 4096
N_ROWS = 16384

def setup_inputs(seed: int = 0) -> dict:
    key = jax.random.key(seed)
    x = jax.random.normal(jax.random.fold_in(key, 0), (N_ROWS, D_MODEL), dtype=jnp.float32)
    # buffer created at __init__ time: torch.randperm(d_model)
    perm = jnp.asarray(np.random.default_rng(0).permutation(D_MODEL), dtype=jnp.int32)
    return {"x": x, "perm": perm}

def reference(x, perm):
    # forward: x[:, perm] -> column gather along feature dim
    out = jnp.take(x, perm, axis=1)
    return (out, 0)

if __name__ == "__main__":
    import jax
    _d = setup_inputs()
    print(jax.jit(kernel)(*tuple(_d.values())))

</pallas_src>

<mosaic_0001>
#map = affine_map<(d0, d1) -> (0, 0)>
#map1 = affine_map<(d0, d1) -> (0)>
module attributes {stable_mosaic.version = 14 : i64} {
  func.func @k(%arg0: i32, %arg1: i32, %arg2: memref<16384x4096xf32, #tpu.memory_space<hbm>>, %arg3: memref<4096xi32, #tpu.memory_space<hbm>>, %arg4: memref<16384x4096xf32, #tpu.memory_space<hbm>>, %arg5: memref<4096xi32, #tpu.memory_space<vmem>>, %arg6: memref<8x4096xf32, #tpu.memory_space<vmem>>, %arg7: memref<8x4096xf32, #tpu.memory_space<vmem>>, %arg8: memref<8x2048xf32, #tpu.memory_space<vmem>>, %arg9: memref<8x2048xf32, #tpu.memory_space<vmem>>, %arg10: memref<!tpu.dma_semaphore, #tpu.memory_space<semaphore_mem>>, %arg11: memref<!tpu.dma_semaphore, #tpu.memory_space<semaphore_mem>>, %arg12: memref<!tpu.dma_semaphore, #tpu.memory_space<semaphore_mem>>, %arg13: memref<!tpu.dma_semaphore, #tpu.memory_space<semaphore_mem>>) attributes {dimension_semantics = [#tpu.dimension_semantics<core_parallel>, #tpu.dimension_semantics<subcore_parallel>], iteration_bounds = array<i64: 2, 16>, scalar_prefetch = 0 : i64, scratch_operands = 9 : i64, tpu.core_type = #tpu.core_type<sc_vector_subcore>, window_params = [{transform_indices = #map}, {transform_indices = #map1}, {transform_indices = #map}]} {
    %mul3A = arith.constant 2 : i32
    %mul3A_0 = arith.muli %arg1, %mul3A : i32
    %add3A = arith.addi %mul3A_0, %arg0 : i32
    %mul3A_1 = arith.constant 512 : i32
    %mul3A_2 = arith.muli %add3A, %mul3A_1 : i32
    "tpu.region"() ({
      %run_scoped3A = tpu.sem_alloc : memref<!tpu.dma_semaphore, #tpu.memory_space<semaphore_mem>>
      tpu.enqueue_dma source(%arg3 : memref<4096xi32, #tpu.memory_space<hbm>>) target(%arg5 : memref<4096xi32, #tpu.memory_space<vmem>>) target_semaphore(%run_scoped3A : memref<!tpu.dma_semaphore, #tpu.memory_space<semaphore_mem>>)
      tpu.wait_dma2 semaphore(%run_scoped3A : memref<!tpu.dma_semaphore, #tpu.memory_space<semaphore_mem>>) src(%arg3 : memref<4096xi32, #tpu.memory_space<hbm>>) dst(%arg5 : memref<4096xi32, #tpu.memory_space<vmem>>)
      tpu.yield
    }) : () -> ()
    %broadcast_in_dim3A = arith.constant 0 : i32
    %broadcast_in_dim3A_3 = vector.broadcast %broadcast_in_dim3A : i32 to vector<16xi32>
    %broadcast_in_dim3A_4 = arith.constant 1 : i32
    %broadcast_in_dim3A_5 = vector.broadcast %broadcast_in_dim3A_4 : i32 to vector<16xi32>
    %broadcast_in_dim3A_6 = arith.constant 2 : i32
    %broadcast_in_dim3A_7 = vector.broadcast %broadcast_in_dim3A_6 : i32 to vector<16xi32>
    %broadcast_in_dim3A_8 = arith.constant 3 : i32
    %broadcast_in_dim3A_9 = vector.broadcast %broadcast_in_dim3A_8 : i32 to vector<16xi32>
    %broadcast_in_dim3A_10 = arith.constant 4 : i32
    %broadcast_in_dim3A_11 = vector.broadcast %broadcast_in_dim3A_10 : i32 to vector<16xi32>
    %broadcast_in_dim3A_12 = arith.constant 5 : i32
    %broadcast_in_dim3A_13 = vector.broadcast %broadcast_in_dim3A_12 : i32 to vector<16xi32>
    %broadcast_in_dim3A_14 = arith.constant 6 : i32
    %broadcast_in_dim3A_15 = vector.broadcast %broadcast_in_dim3A_14 : i32 to vector<16xi32>
    %broadcast_in_dim3A_16 = arith.constant 7 : i32
    %broadcast_in_dim3A_17 = vector.broadcast %broadcast_in_dim3A_16 : i32 to vector<16xi32>
    %add3A_18 = arith.constant 0 : i32
    %add3A_19 = arith.addi %mul3A_2, %add3A_18 : i32
    %dma_start3A = arith.constant 0 : i32
    %dma_start3A_20 = tpu.memref_slice %arg2[%add3A_19, %dma_start3A] : memref<16384x4096xf32, #tpu.memory_space<hbm>> -> memref<8x4096xf32, #tpu.memory_space<hbm>>
    %dma_start3A_21 = arith.constant 0 : i32
    %dma_start3A_22 = tpu.memref_slice %arg2[%add3A_19, %dma_start3A_21] : memref<16384x4096xf32, #tpu.memory_space<hbm>> -> memref<8x4096xf32, #tpu.memory_space<hbm>>
    tpu.enqueue_dma source(%dma_start3A_22 : memref<8x4096xf32, #tpu.memory_space<hbm>>) target(%arg6 : memref<8x4096xf32, #tpu.memory_space<vmem>>) target_semaphore(%arg10 : memref<!tpu.dma_semaphore, #tpu.memory_space<semaphore_mem>>)
    %scan3A = arith.constant 0 : i32
    %scan3A_23 = arith.constant 0 : i32
    %scan3A_24 = arith.constant 32 : i32
    %scan3A_25 = arith.addi %scan3A_23, %scan3A_24 : i32
    %scan3A_26 = arith.constant 1 : i32
    scf.for %scan3A_39 = %scan3A_23 to %scan3A_25 step %scan3A_26  : i32 {
      %mul3A_40 = arith.constant 2 : i32
      %mul3A_41 = arith.muli %scan3A_39, %mul3A_40 : i32
      %add3A_42 = arith.constant 0 : i32
      %add3A_43 = arith.addi %mul3A_41, %add3A_42 : i32
      %add3A_44 = arith.constant 1 : i32
      %add3A_45 = arith.addi %add3A_43, %add3A_44 : i32
      %lt3A = arith.constant 64 : i32
      %lt3A_46 = arith.cmpi slt, %add3A_45, %lt3A : i32
      %convert_element_type3A = arith.extui %lt3A_46 : i1 to i32
      %cond3A = arith.constant 0 : i32
      %cond3A_47 = arith.cmpi ne, %convert_element_type3A, %cond3A : i32
      scf.if %cond3A_47 {
        %add3A_129 = arith.constant 1 : i32
        %add3A_130 = arith.addi %add3A_43, %add3A_129 : i32
        %mul3A_131 = arith.constant 8 : i32
        %mul3A_132 = arith.muli %add3A_130, %mul3A_131 : i32
        %add3A_133 = arith.addi %mul3A_2, %mul3A_132 : i32
        %dma_start3A_134 = arith.constant 0 : i32
        %dma_start3A_135 = tpu.memref_slice %arg2[%add3A_133, %dma_start3A_134] : memref<16384x4096xf32, #tpu.memory_space<hbm>> -> memref<8x4096xf32, #tpu.memory_space<hbm>>
        %dma_start3A_136 = arith.constant 0 : i32
        %dma_start3A_137 = tpu.memref_slice %arg2[%add3A_133, %dma_start3A_136] : memref<16384x4096xf32, #tpu.memory_space<hbm>> -> memref<8x4096xf32, #tpu.memory_space<hbm>>
        tpu.enqueue_dma source(%dma_start3A_137 : memref<8x4096xf32, #tpu.memory_space<hbm>>) target(%arg7 : memref<8x4096xf32, #tpu.memory_space<vmem>>) target_semaphore(%arg11 : memref<!tpu.dma_semaphore, #tpu.memory_space<semaphore_mem>>)
      } else {
      }
      %mul3A_48 = arith.constant 8 : i32
      %mul3A_49 = arith.muli %add3A_43, %mul3A_48 : i32
      %add3A_50 = arith.addi %mul3A_2, %mul3A_49 : i32
      %dma_wait3A_51 = arith.constant 0 : i32
      %dma_wait3A_52 = tpu.memref_slice %arg2[%add3A_50, %dma_wait3A_51] : memref<16384x4096xf32, #tpu.memory_space<hbm>> -> memref<8x4096xf32, #tpu.memory_space<hbm>>
      %dma_wait3A_53 = arith.constant 0 : i32
      %dma_wait3A_54 = tpu.memref_slice %arg2[%add3A_50, %dma_wait3A_53] : memref<16384x4096xf32, #tpu.memory_space<hbm>> -> memref<8x4096xf32, #tpu.memory_space<hbm>>
      tpu.wait_dma2 semaphore(%arg10 : memref<!tpu.dma_semaphore, #tpu.memory_space<semaphore_mem>>) src(%dma_wait3A_54 : memref<8x4096xf32, #tpu.memory_space<hbm>>) dst(%arg6 : memref<8x4096xf32, #tpu.memory_space<vmem>>)
      %gt3A = arith.constant 0 : i32
      %gt3A_55 = arith.cmpi sgt, %add3A_43, %gt3A : i32
      %convert_element_type3A_56 = arith.extui %gt3A_55 : i1 to i32
      %cond3A_57 = arith.constant 0 : i32
      %cond3A_58 = arith.cmpi ne, %convert_element_type3A_56, %cond3A_57 : i32
      scf.if %cond3A_58 {
        %mul3A_129 = arith.constant 8 : i32
        %mul3A_130 = arith.muli %add3A_43, %mul3A_129 : i32
        %add3A_131 = arith.addi %mul3A_2, %mul3A_130 : i32
        %dma_wait3A_132 = arith.constant 0 : i32
        %dma_wait3A_133 = tpu.memref_slice %arg4[%add3A_131, %dma_wait3A_132] : memref<16384x4096xf32, #tpu.memory_space<hbm>> -> memref<8x2048xf32, #tpu.memory_space<hbm>>
        %dma_wait3A_134 = arith.constant 0 : i32
        %dma_wait3A_135 = tpu.memref_slice %arg4[%add3A_131, %dma_wait3A_134] : memref<16384x4096xf32, #tpu.memory_space<hbm>> -> memref<8x2048xf32, #tpu.memory_space<hbm>>
        tpu.wait_dma2 semaphore(%arg12 : memref<!tpu.dma_semaphore, #tpu.memory_space<semaphore_mem>>) src(%arg8 : memref<8x2048xf32, #tpu.memory_space<vmem>>) dst(%dma_wait3A_135 : memref<8x2048xf32, #tpu.memory_space<hbm>>)
      } else {
      }
      %parallel_loop3A = arith.constant 0 : i32
      %parallel_loop3A_59 = arith.constant 128 : i32
      %parallel_loop3A_60 = arith.constant 1 : i32
      scf.for %parallel_loop3A_129 = %parallel_loop3A to %parallel_loop3A_59 step %parallel_loop3A_60  : i32 {
        %parallel_loop3A_130 = arith.constant 0 : i32
        %parallel_loop3A_131 = arith.addi %parallel_loop3A_130, %parallel_loop3A_129 : i32
        %parallel_loop3A_132 = arith.constant 16 : i32
        %parallel_loop3A_133 = arith.muli %parallel_loop3A_131, %parallel_loop3A_132 : i32
        %parallel_loop3A_134 = arith.index_cast %parallel_loop3A_133 : i32 to index
        %parallel_loop3A_135 = tpu.vector_load %arg5[%parallel_loop3A_134] {strides = array<i32>} : memref<4096xi32, #tpu.memory_space<vmem>>, vector<16xi32>,
        %parallel_loop3A_136 = tpu.vector_load_idx %arg6[%broadcast_in_dim3A_3, %parallel_loop3A_135] : memref<8x4096xf32, #tpu.memory_space<vmem>>[vector<16xi32>, vector<16xi32>], vector<16xf32>,
        %parallel_loop3A_137 = arith.constant 16 : i32
        %parallel_loop3A_138 = arith.muli %parallel_loop3A_129, %parallel_loop3A_137 : i32
        %parallel_loop3A_139 = arith.constant 0 : i32
        %parallel_loop3A_140 = arith.index_cast %parallel_loop3A_139 : i32 to index
        %parallel_loop3A_141 = arith.index_cast %parallel_loop3A_138 : i32 to index
        %parallel_loop3A_142 = tpu.vector_load %arg8[%parallel_loop3A_140, %parallel_loop3A_141] {strides = array<i32>} : memref<8x2048xf32, #tpu.memory_space<vmem>>, vector<16xf32>,
        tpu.vector_store %arg8[%parallel_loop3A_140, %parallel_loop3A_141], %parallel_loop3A_136 {strides = array<i32>} : memref<8x2048xf32, #tpu.memory_space<vmem>>, vector<16xf32>,
        %parallel_loop3A_143 = tpu.vector_load_idx %arg6[%broadcast_in_dim3A_5, %parallel_loop3A_135] : memref<8x4096xf32, #tpu.memory_space<vmem>>[vector<16xi32>, vector<16xi32>], vector<16xf32>,
        %parallel_loop3A_144 = arith.constant 16 : i32
        %parallel_loop3A_145 = arith.muli %parallel_loop3A_129, %parallel_loop3A_144 : i32
        %parallel_loop3A_146 = arith.constant 1 : i32
        %parallel_loop3A_147 = arith.index_cast %parallel_loop3A_146 : i32 to index
        %parallel_loop3A_148 = arith.index_cast %parallel_loop3A_145 : i32 to index
        %parallel_loop3A_149 = tpu.vector_load %arg8[%parallel_loop3A_147, %parallel_loop3A_148] {strides = array<i32>} : memref<8x2048xf32, #tpu.memory_space<vmem>>, vector<16xf32>,
        tpu.vector_store %arg8[%parallel_loop3A_147, %parallel_loop3A_148], %parallel_loop3A_143 {strides = array<i32>} : memref<8x2048xf32, #tpu.memory_space<vmem>>, vector<16xf32>,
        %parallel_loop3A_150 = tpu.vector_load_idx %arg6[%broadcast_in_dim3A_7, %parallel_loop3A_135] : memref<8x4096xf32, #tpu.memory_space<vmem>>[vector<16xi32>, vector<16xi32>], vector<16xf32>,
        %parallel_loop3A_151 = arith.constant 16 : i32
        %parallel_loop3A_152 = arith.muli %parallel_loop3A_129, %parallel_loop3A_151 : i32
        %parallel_loop3A_153 = arith.constant 2 : i32
        %parallel_loop3A_154 = arith.index_cast %parallel_loop3A_153 : i32 to index
        %parallel_loop3A_155 = arith.index_cast %parallel_loop3A_152 : i32 to index
        %parallel_loop3A_156 = tpu.vector_load %arg8[%parallel_loop3A_154, %parallel_loop3A_155] {strides = array<i32>} : memref<8x2048xf32, #tpu.memory_space<vmem>>, vector<16xf32>,
        tpu.vector_store %arg8[%parallel_loop3A_154, %parallel_loop3A_155], %parallel_loop3A_150 {strides = array<i32>} : memref<8x2048xf32, #tpu.memory_space<vmem>>, vector<16xf32>,
        %parallel_loop3A_157 = tpu.vector_load_idx %arg6[%broadcast_in_dim3A_9, %parallel_loop3A_135] : memref<8x4096xf32, #tpu.memory_space<vmem>>[vector<16xi32>, vector<16xi32>], vector<16xf32>,
        %parallel_loop3A_158 = arith.constant 16 : i32
        %parallel_loop3A_159 = arith.muli %parallel_loop3A_129, %parallel_loop3A_158 : i32
        %parallel_loop3A_160 = arith.constant 3 : i32
        %parallel_loop3A_161 = arith.index_cast %parallel_loop3A_160 : i32 to index
        %parallel_loop3A_162 = arith.index_cast %parallel_loop3A_159 : i32 to index
        %parallel_loop3A_163 = tpu.vector_load %arg8[%parallel_loop3A_161, %parallel_loop3A_162] {strides = array<i32>} : memref<8x2048xf32, #tpu.memory_space<vmem>>, vector<16xf32>,
        tpu.vector_store %arg8[%parallel_loop3A_161, %parallel_loop3A_162], %parallel_loop3A_157 {strides = array<i32>} : memref<8x2048xf32, #tpu.memory_space<vmem>>, vector<16xf32>,
        %parallel_loop3A_164 = tpu.vector_load_idx %arg6[%broadcast_in_dim3A_11, %parallel_loop3A_135] : memref<8x4096xf32, #tpu.memory_space<vmem>>[vector<16xi32>, vector<16xi32>], vector<16xf32>,
        %parallel_loop3A_165 = arith.constant 16 : i32
        %parallel_loop3A_166 = arith.muli %parallel_loop3A_129, %parallel_loop3A_165 : i32
        %parallel_loop3A_167 = arith.constant 4 : i32
        %parallel_loop3A_168 = arith.index_cast %parallel_loop3A_167 : i32 to index
        %parallel_loop3A_169 = arith.index_cast %parallel_loop3A_166 : i32 to index
        %parallel_loop3A_170 = tpu.vector_load %arg8[%parallel_loop3A_168, %parallel_loop3A_169] {strides = array<i32>} : memref<8x2048xf32, #tpu.memory_space<vmem>>, vector<16xf32>,
        tpu.vector_store %arg8[%parallel_loop3A_168, %parallel_loop3A_169], %parallel_loop3A_164 {strides = array<i32>} : memref<8x2048xf32, #tpu.memory_space<vmem>>, vector<16xf32>,
        %parallel_loop3A_171 = tpu.vector_load_idx %arg6[%broadcast_in_dim3A_13, %parallel_loop3A_135] : memref<8x4096xf32, #tpu.memory_space<vmem>>[vector<16xi32>, vector<16xi32>], vector<16xf32>,
        %parallel_loop3A_172 = arith.constant 16 : i32
        %parallel_loop3A_173 = arith.muli %parallel_loop3A_129, %parallel_loop3A_172 : i32
        %parallel_loop3A_174 = arith.constant 5 : i32
        %parallel_loop3A_175 = arith.index_cast %parallel_loop3A_174 : i32 to index
        %parallel_loop3A_176 = arith.index_cast %parallel_loop3A_173 : i32 to index
        %parallel_loop3A_177 = tpu.vector_load %arg8[%parallel_loop3A_175, %parallel_loop3A_176] {strides = array<i32>} : memref<8x2048xf32, #tpu.memory_space<vmem>>, vector<16xf32>,
        tpu.vector_store %arg8[%parallel_loop3A_175, %parallel_loop3A_176], %parallel_loop3A_171 {strides = array<i32>} : memref<8x2048xf32, #tpu.memory_space<vmem>>, vector<16xf32>,
        %parallel_loop3A_178 = tpu.vector_load_idx %arg6[%broadcast_in_dim3A_15, %parallel_loop3A_135] : memref<8x4096xf32, #tpu.memory_space<vmem>>[vector<16xi32>, vector<16xi32>], vector<16xf32>,
        %parallel_loop3A_179 = arith.constant 16 : i32
        %parallel_loop3A_180 = arith.muli %parallel_loop3A_129, %parallel_loop3A_179 : i32
        %parallel_loop3A_181 = arith.constant 6 : i32
        %parallel_loop3A_182 = arith.index_cast %parallel_loop3A_181 : i32 to index
        %parallel_loop3A_183 = arith.index_cast %parallel_loop3A_180 : i32 to index
        %parallel_loop3A_184 = tpu.vector_load %arg8[%parallel_loop3A_182, %parallel_loop3A_183] {strides = array<i32>} : memref<8x2048xf32, #tpu.memory_space<vmem>>, vector<16xf32>,
        tpu.vector_store %arg8[%parallel_loop3A_182, %parallel_loop3A_183], %parallel_loop3A_178 {strides = array<i32>} : memref<8x2048xf32, #tpu.memory_space<vmem>>, vector<16xf32>,
        %parallel_loop3A_185 = tpu.vector_load_idx %arg6[%broadcast_in_dim3A_17, %parallel_loop3A_135] : memref<8x4096xf32, #tpu.memory_space<vmem>>[vector<16xi32>, vector<16xi32>], vector<16xf32>,
        %parallel_loop3A_186 = arith.constant 16 : i32
        %parallel_loop3A_187 = arith.muli %parallel_loop3A_129, %parallel_loop3A_186 : i32
        %parallel_loop3A_188 = arith.constant 7 : i32
        %parallel_loop3A_189 = arith.index_cast %parallel_loop3A_188 : i32 to index
        %parallel_loop3A_190 = arith.index_cast %parallel_loop3A_187 : i32 to index
        %parallel_loop3A_191 = tpu.vector_load %arg8[%parallel_loop3A_189, %parallel_loop3A_190] {strides = array<i32>} : memref<8x2048xf32, #tpu.memory_space<vmem>>, vector<16xf32>,
        tpu.vector_store %arg8[%parallel_loop3A_189, %parallel_loop3A_190], %parallel_loop3A_185 {strides = array<i32>} : memref<8x2048xf32, #tpu.memory_space<vmem>>, vector<16xf32>,
      } {sc.loop_unroll_factor = 2 : i64, sc.parallel_access}
      %mul3A_61 = arith.constant 8 : i32
      %mul3A_62 = arith.muli %add3A_43, %mul3A_61 : i32
      %add3A_63 = arith.addi %mul3A_2, %mul3A_62 : i32
      %dma_start3A_64 = arith.constant 0 : i32
      %dma_start3A_65 = tpu.memref_slice %arg4[%add3A_63, %dma_start3A_64] : memref<16384x4096xf32, #tpu.memory_space<hbm>> -> memref<8x2048xf32, #tpu.memory_space<hbm>>
      %dma_start3A_66 = arith.constant 0 : i32
      %dma_start3A_67 = tpu.memref_slice %arg4[%add3A_63, %dma_start3A_66] : memref<16384x4096xf32, #tpu.memory_space<hbm>> -> memref<8x2048xf32, #tpu.memory_space<hbm>>
      tpu.enqueue_dma source(%arg8 : memref<8x2048xf32, #tpu.memory_space<vmem>>) target(%dma_start3A_67 : memref<8x2048xf32, #tpu.memory_space<hbm>>) target_semaphore(%arg12 : memref<!tpu.dma_semaphore, #tpu.memory_space<semaphore_mem>>)
      %gt3A_68 = arith.constant 0 : i32
      %gt3A_69 = arith.cmpi sgt, %add3A_43, %gt3A_68 : i32
      %convert_element_type3A_70 = arith.extui %gt3A_69 : i1 to i32
      %cond3A_71 = arith.constant 0 : i32
      %cond3A_72 = arith.cmpi ne, %convert_element_type3A_70, %cond3A_71 : i32
      scf.if %cond3A_72 {
        %mul3A_129 = arith.constant 8 : i32
        %mul3A_130 = arith.muli %add3A_43, %mul3A_129 : i32
        %add3A_131 = arith.addi %mul3A_2, %mul3A_130 : i32
        %dma_wait3A_132 = arith.constant 2048 : i32
        %dma_wait3A_133 = tpu.memref_slice %arg4[%add3A_131, %dma_wait3A_132] : memref<16384x4096xf32, #tpu.memory_space<hbm>> -> memref<8x2048xf32, #tpu.memory_space<hbm>>
        %dma_wait3A_134 = arith.constant 2048 : i32
        %dma_wait3A_135 = tpu.memref_slice %arg4[%add3A_131, %dma_wait3A_134] : memref<16384x4096xf32, #tpu.memory_space<hbm>> -> memref<8x2048xf32, #tpu.memory_space<hbm>>
        tpu.wait_dma2 semaphore(%arg13 : memref<!tpu.dma_semaphore, #tpu.memory_space<semaphore_mem>>) src(%arg9 : memref<8x2048xf32, #tpu.memory_space<vmem>>) dst(%dma_wait3A_135 : memref<8x2048xf32, #tpu.memory_space<hbm>>)
      } else {
      }
      %parallel_loop3A_73 = arith.constant 0 : i32
      %parallel_loop3A_74 = arith.constant 128 : i32
      %parallel_loop3A_75 = arith.constant 1 : i32
      scf.for %parallel_loop3A_129 = %parallel_loop3A_73 to %parallel_loop3A_74 step %parallel_loop3A_75  : i32 {
        %parallel_loop3A_130 = arith.constant 128 : i32
        %parallel_loop3A_131 = arith.addi %parallel_loop3A_130, %parallel_loop3A_129 : i32
        %parallel_loop3A_132 = arith.constant 16 : i32
        %parallel_loop3A_133 = arith.muli %parallel_loop3A_131, %parallel_loop3A_132 : i32
        %parallel_loop3A_134 = arith.index_cast %parallel_loop3A_133 : i32 to index
        %parallel_loop3A_135 = tpu.vector_load %arg5[%parallel_loop3A_134] {strides = array<i32>} : memref<4096xi32, #tpu.memory_space<vmem>>, vector<16xi32>,
        %parallel_loop3A_136 = tpu.vector_load_idx %arg6[%broadcast_in_dim3A_3, %parallel_loop3A_135] : memref<8x4096xf32, #tpu.memory_space<vmem>>[vector<16xi32>, vector<16xi32>], vector<16xf32>,
        %parallel_loop3A_137 = arith.constant 16 : i32
        %parallel_loop3A_138 = arith.muli %parallel_loop3A_129, %parallel_loop3A_137 : i32
        %parallel_loop3A_139 = arith.constant 0 : i32
        %parallel_loop3A_140 = arith.index_cast %parallel_loop3A_139 : i32 to index
        %parallel_loop3A_141 = arith.index_cast %parallel_loop3A_138 : i32 to index
        %parallel_loop3A_142 = tpu.vector_load %arg9[%parallel_loop3A_140, %parallel_loop3A_141] {strides = array<i32>} : memref<8x2048xf32, #tpu.memory_space<vmem>>, vector<16xf32>,
        tpu.vector_store %arg9[%parallel_loop3A_140, %parallel_loop3A_141], %parallel_loop3A_136 {strides = array<i32>} : memref<8x2048xf32, #tpu.memory_space<vmem>>, vector<16xf32>,
        %parallel_loop3A_143 = tpu.vector_load_idx %arg6[%broadcast_in_dim3A_5, %parallel_loop3A_135] : memref<8x4096xf32, #tpu.memory_space<vmem>>[vector<16xi32>, vector<16xi32>], vector<16xf32>,
        %parallel_loop3A_144 = arith.constant 16 : i32
        %parallel_loop3A_145 = arith.muli %parallel_loop3A_129, %parallel_loop3A_144 : i32
        %parallel_loop3A_146 = arith.constant 1 : i32
        %parallel_loop3A_147 = arith.index_cast %parallel_loop3A_146 : i32 to index
        %parallel_loop3A_148 = arith.index_cast %parallel_loop3A_145 : i32 to index
        %parallel_loop3A_149 = tpu.vector_load %arg9[%parallel_loop3A_147, %parallel_loop3A_148] {strides = array<i32>} : memref<8x2048xf32, #tpu.memory_space<vmem>>, vector<16xf32>,
        tpu.vector_store %arg9[%parallel_loop3A_147, %parallel_loop3A_148], %parallel_loop3A_143 {strides = array<i32>} : memref<8x2048xf32, #tpu.memory_space<vmem>>, vector<16xf32>,
        %parallel_loop3A_150 = tpu.vector_load_idx %arg6[%broadcast_in_dim3A_7, %parallel_loop3A_135] : memref<8x4096xf32, #tpu.memory_space<vmem>>[vector<16xi32>, vector<16xi32>], vector<16xf32>,
        %parallel_loop3A_151 = arith.constant 16 : i32
        %parallel_loop3A_152 = arith.muli %parallel_loop3A_129, %parallel_loop3A_151 : i32
        %parallel_loop3A_153 = arith.constant 2 : i32
        %parallel_loop3A_154 = arith.index_cast %parallel_loop3A_153 : i32 to index
        %parallel_loop3A_155 = arith.index_cast %parallel_loop3A_152 : i32 to index
        %parallel_loop3A_156 = tpu.vector_load %arg9[%parallel_loop3A_154, %parallel_loop3A_155] {strides = array<i32>} : memref<8x2048xf32, #tpu.memory_space<vmem>>, vector<16xf32>,
        tpu.vector_store %arg9[%parallel_loop3A_154, %parallel_loop3A_155], %parallel_loop3A_150 {strides = array<i32>} : memref<8x2048xf32, #tpu.memory_space<vmem>>, vector<16xf32>,
        %parallel_loop3A_157 = tpu.vector_load_idx %arg6[%broadcast_in_dim3A_9, %parallel_loop3A_135] : memref<8x4096xf32, #tpu.memory_space<vmem>>[vector<16xi32>, vector<16xi32>], vector<16xf32>,
        %parallel_loop3A_158 = arith.constant 16 : i32
        %parallel_loop3A_159 = arith.muli %parallel_loop3A_129, %parallel_loop3A_158 : i32
        %parallel_loop3A_160 = arith.constant 3 : i32
        %parallel_loop3A_161 = arith.index_cast %parallel_loop3A_160 : i32 to index
        %parallel_loop3A_162 = arith.index_cast %parallel_loop3A_159 : i32 to index
        %parallel_loop3A_163 = tpu.vector_load %arg9[%parallel_loop3A_161, %parallel_loop3A_162] {strides = array<i32>} : memref<8x2048xf32, #tpu.memory_space<vmem>>, vector<16xf32>,
        tpu.vector_store %arg9[%parallel_loop3A_161, %parallel_loop3A_162], %parallel_loop3A_157 {strides = array<i32>} : memref<8x2048xf32, #tpu.memory_space<vmem>>, vector<16xf32>,
        %parallel_loop3A_164 = tpu.vector_load_idx %arg6[%broadcast_in_dim3A_11, %parallel_loop3A_135] : memref<8x4096xf32, #tpu.memory_space<vmem>>[vector<16xi32>, vector<16xi32>], vector<16xf32>,
        %parallel_loop3A_165 = arith.constant 16 : i32
        %parallel_loop3A_166 = arith.muli %parallel_loop3A_129, %parallel_loop3A_165 : i32
        %parallel_loop3A_167 = arith.constant 4 : i32
        %parallel_loop3A_168 = arith.index_cast %parallel_loop3A_167 : i32 to index
        %parallel_loop3A_169 = arith.index_cast %parallel_loop3A_166 : i32 to index
        %parallel_loop3A_170 = tpu.vector_load %arg9[%parallel_loop3A_168, %parallel_loop3A_169] {strides = array<i32>} : memref<8x2048xf32, #tpu.memory_space<vmem>>, vector<16xf32>,
        tpu.vector_store %arg9[%parallel_loop3A_168, %parallel_loop3A_169], %parallel_loop3A_164 {strides = array<i32>} : memref<8x2048xf32, #tpu.memory_space<vmem>>, vector<16xf32>,
        %parallel_loop3A_171 = tpu.vector_load_idx %arg6[%broadcast_in_dim3A_13, %parallel_loop3A_135] : memref<8x4096xf32, #tpu.memory_space<vmem>>[vector<16xi32>, vector<16xi32>], vector<16xf32>,
        %parallel_loop3A_172 = arith.constant 16 : i32
        %parallel_loop3A_173 = arith.muli %parallel_loop3A_129, %parallel_loop3A_172 : i32
        %parallel_loop3A_174 = arith.constant 5 : i32
        %parallel_loop3A_175 = arith.index_cast %parallel_loop3A_174 : i32 to index
        %parallel_loop3A_176 = arith.index_cast %parallel_loop3A_173 : i32 to index
        %parallel_loop3A_177 = tpu.vector_load %arg9[%parallel_loop3A_175, %parallel_loop3A_176] {strides = array<i32>} : memref<8x2048xf32, #tpu.memory_space<vmem>>, vector<16xf32>,
        tpu.vector_store %arg9[%parallel_loop3A_175, %parallel_loop3A_176], %parallel_loop3A_171 {strides = array<i32>} : memref<8x2048xf32, #tpu.memory_space<vmem>>, vector<16xf32>,
        %parallel_loop3A_178 = tpu.vector_load_idx %arg6[%broadcast_in_dim3A_15, %parallel_loop3A_135] : memref<8x4096xf32, #tpu.memory_space<vmem>>[vector<16xi32>, vector<16xi32>], vector<16xf32>,
        %parallel_loop3A_179 = arith.constant 16 : i32
        %parallel_loop3A_180 = arith.muli %parallel_loop3A_129, %parallel_loop3A_179 : i32
        %parallel_loop3A_181 = arith.constant 6 : i32
        %parallel_loop3A_182 = arith.index_cast %parallel_loop3A_181 : i32 to index
        %parallel_loop3A_183 = arith.index_cast %parallel_loop3A_180 : i32 to index
        %parallel_loop3A_184 = tpu.vector_load %arg9[%parallel_loop3A_182, %parallel_loop3A_183] {strides = array<i32>} : memref<8x2048xf32, #tpu.memory_space<vmem>>, vector<16xf32>,
        tpu.vector_store %arg9[%parallel_loop3A_182, %parallel_loop3A_183], %parallel_loop3A_178 {strides = array<i32>} : memref<8x2048xf32, #tpu.memory_space<vmem>>, vector<16xf32>,
        %parallel_loop3A_185 = tpu.vector_load_idx %arg6[%broadcast_in_dim3A_17, %parallel_loop3A_135] : memref<8x4096xf32, #tpu.memory_space<vmem>>[vector<16xi32>, vector<16xi32>], vector<16xf32>,
        %parallel_loop3A_186 = arith.constant 16 : i32
        %parallel_loop3A_187 = arith.muli %parallel_loop3A_129, %parallel_loop3A_186 : i32
        %parallel_loop3A_188 = arith.constant 7 : i32
        %parallel_loop3A_189 = arith.index_cast %parallel_loop3A_188 : i32 to index
        %parallel_loop3A_190 = arith.index_cast %parallel_loop3A_187 : i32 to index
        %parallel_loop3A_191 = tpu.vector_load %arg9[%parallel_loop3A_189, %parallel_loop3A_190] {strides = array<i32>} : memref<8x2048xf32, #tpu.memory_space<vmem>>, vector<16xf32>,
        tpu.vector_store %arg9[%parallel_loop3A_189, %parallel_loop3A_190], %parallel_loop3A_185 {strides = array<i32>} : memref<8x2048xf32, #tpu.memory_space<vmem>>, vector<16xf32>,
      } {sc.loop_unroll_factor = 2 : i64, sc.parallel_access}
      %mul3A_76 = arith.constant 8 : i32
      %mul3A_77 = arith.muli %add3A_43, %mul3A_76 : i32
      %add3A_78 = arith.addi %mul3A_2, %mul3A_77 : i32
      %dma_start3A_79 = arith.constant 2048 : i32
      %dma_start3A_80 = tpu.memref_slice %arg4[%add3A_78, %dma_start3A_79] : memref<16384x4096xf32, #tpu.memory_space<hbm>> -> memref<8x2048xf32, #tpu.memory_space<hbm>>
      %dma_start3A_81 = arith.constant 2048 : i32
      %dma_start3A_82 = tpu.memref_slice %arg4[%add3A_78, %dma_start3A_81] : memref<16384x4096xf32, #tpu.memory_space<hbm>> -> memref<8x2048xf32, #tpu.memory_space<hbm>>
      tpu.enqueue_dma source(%arg9 : memref<8x2048xf32, #tpu.memory_space<vmem>>) target(%dma_start3A_82 : memref<8x2048xf32, #tpu.memory_space<hbm>>) target_semaphore(%arg13 : memref<!tpu.dma_semaphore, #tpu.memory_space<semaphore_mem>>)
      %add3A_83 = arith.constant 1 : i32
      %add3A_84 = arith.addi %mul3A_41, %add3A_83 : i32
      %add3A_85 = arith.constant 1 : i32
      %add3A_86 = arith.addi %add3A_84, %add3A_85 : i32
      %lt3A_87 = arith.constant 64 : i32
      %lt3A_88 = arith.cmpi slt, %add3A_86, %lt3A_87 : i32
      %convert_element_type3A_89 = arith.extui %lt3A_88 : i1 to i32
      %cond3A_90 = arith.constant 0 : i32
      %cond3A_91 = arith.cmpi ne, %convert_element_type3A_89, %cond3A_90 : i32
      scf.if %cond3A_91 {
        %add3A_129 = arith.constant 1 : i32
        %add3A_130 = arith.addi %add3A_84, %add3A_129 : i32
        %mul3A_131 = arith.constant 8 : i32
        %mul3A_132 = arith.muli %add3A_130, %mul3A_131 : i32
        %add3A_133 = arith.addi %mul3A_2, %mul3A_132 : i32
        %dma_start3A_134 = arith.constant 0 : i32
        %dma_start3A_135 = tpu.memref_slice %arg2[%add3A_133, %dma_start3A_134] : memref<16384x4096xf32, #tpu.memory_space<hbm>> -> memref<8x4096xf32, #tpu.memory_space<hbm>>
        %dma_start3A_136 = arith.constant 0 : i32
        %dma_start3A_137 = tpu.memref_slice %arg2[%add3A_133, %dma_start3A_136] : memref<16384x4096xf32, #tpu.memory_space<hbm>> -> memref<8x4096xf32, #tpu.memory_space<hbm>>
        tpu.enqueue_dma source(%dma_start3A_137 : memref<8x4096xf32, #tpu.memory_space<hbm>>) target(%arg6 : memref<8x4096xf32, #tpu.memory_space<vmem>>) target_semaphore(%arg10 : memref<!tpu.dma_semaphore, #tpu.memory_space<semaphore_mem>>)
      } else {
      }
      %mul3A_92 = arith.constant 8 : i32
      %mul3A_93 = arith.muli %add3A_84, %mul3A_92 : i32
      %add3A_94 = arith.addi %mul3A_2, %mul3A_93 : i32
      %dma_wait3A_95 = arith.constant 0 : i32
      %dma_wait3A_96 = tpu.memref_slice %arg2[%add3A_94, %dma_wait3A_95] : memref<16384x4096xf32, #tpu.memory_space<hbm>> -> memref<8x4096xf32, #tpu.memory_space<hbm>>
      %dma_wait3A_97 = arith.constant 0 : i32
      %dma_wait3A_98 = tpu.memref_slice %arg2[%add3A_94, %dma_wait3A_97] : memref<16384x4096xf32, #tpu.memory_space<hbm>> -> memref<8x4096xf32, #tpu.memory_space<hbm>>
      tpu.wait_dma2 semaphore(%arg11 : memref<!tpu.dma_semaphore, #tpu.memory_space<semaphore_mem>>) src(%dma_wait3A_98 : memref<8x4096xf32, #tpu.memory_space<hbm>>) dst(%arg7 : memref<8x4096xf32, #tpu.memory_space<vmem>>)
      %gt3A_99 = arith.constant 0 : i32
      %gt3A_100 = arith.cmpi sgt, %add3A_84, %gt3A_99 : i32
      %convert_element_type3A_101 = arith.extui %gt3A_100 : i1 to i32
      %cond3A_102 = arith.constant 0 : i32
      %cond3A_103 = arith.cmpi ne, %convert_element_type3A_101, %cond3A_102 : i32
      scf.if %cond3A_103 {
        %mul3A_129 = arith.constant 8 : i32
        %mul3A_130 = arith.muli %add3A_84, %mul3A_129 : i32
        %add3A_131 = arith.addi %mul3A_2, %mul3A_130 : i32
        %dma_wait3A_132 = arith.constant 0 : i32
        %dma_wait3A_133 = tpu.memref_slice %arg4[%add3A_131, %dma_wait3A_132] : memref<16384x4096xf32, #tpu.memory_space<hbm>> -> memref<8x2048xf32, #tpu.memory_space<hbm>>
        %dma_wait3A_134 = arith.constant 0 : i32
        %dma_wait3A_135 = tpu.memref_slice %arg4[%add3A_131, %dma_wait3A_134] : memref<16384x4096xf32, #tpu.memory_space<hbm>> -> memref<8x2048xf32, #tpu.memory_space<hbm>>
        tpu.wait_dma2 semaphore(%arg12 : memref<!tpu.dma_semaphore, #tpu.memory_space<semaphore_mem>>) src(%arg8 : memref<8x2048xf32, #tpu.memory_space<vmem>>) dst(%dma_wait3A_135 : memref<8x2048xf32, #tpu.memory_space<hbm>>)
      } else {
      }
      %parallel_loop3A_104 = arith.constant 0 : i32
      %parallel_loop3A_105 = arith.constant 128 : i32
      %parallel_loop3A_106 = arith.constant 1 : i32
      scf.for %parallel_loop3A_129 = %parallel_loop3A_104 to %parallel_loop3A_105 step %parallel_loop3A_106  : i32 {
        %parallel_loop3A_130 = arith.constant 0 : i32
        %parallel_loop3A_131 = arith.addi %parallel_loop3A_130, %parallel_loop3A_129 : i32
        %parallel_loop3A_132 = arith.constant 16 : i32
        %parallel_loop3A_133 = arith.muli %parallel_loop3A_131, %parallel_loop3A_132 : i32
        %parallel_loop3A_134 = arith.index_cast %parallel_loop3A_133 : i32 to index
        %parallel_loop3A_135 = tpu.vector_load %arg5[%parallel_loop3A_134] {strides = array<i32>} : memref<4096xi32, #tpu.memory_space<vmem>>, vector<16xi32>,
        %parallel_loop3A_136 = tpu.vector_load_idx %arg7[%broadcast_in_dim3A_3, %parallel_loop3A_135] : memref<8x4096xf32, #tpu.memory_space<vmem>>[vector<16xi32>, vector<16xi32>], vector<16xf32>,
        %parallel_loop3A_137 = arith.constant 16 : i32
        %parallel_loop3A_138 = arith.muli %parallel_loop3A_129, %parallel_loop3A_137 : i32
        %parallel_loop3A_139 = arith.constant 0 : i32
        %parallel_loop3A_140 = arith.index_cast %parallel_loop3A_139 : i32 to index
        %parallel_loop3A_141 = arith.index_cast %parallel_loop3A_138 : i32 to index
        %parallel_loop3A_142 = tpu.vector_load %arg8[%parallel_loop3A_140, %parallel_loop3A_141] {strides = array<i32>} : memref<8x2048xf32, #tpu.memory_space<vmem>>, vector<16xf32>,
        tpu.vector_store %arg8[%parallel_loop3A_140, %parallel_loop3A_141], %parallel_loop3A_136 {strides = array<i32>} : memref<8x2048xf32, #tpu.memory_space<vmem>>, vector<16xf32>,
        %parallel_loop3A_143 = tpu.vector_load_idx %arg7[%broadcast_in_dim3A_5, %parallel_loop3A_135] : memref<8x4096xf32, #tpu.memory_space<vmem>>[vector<16xi32>, vector<16xi32>], vector<16xf32>,
        %parallel_loop3A_144 = arith.constant 16 : i32
        %parallel_loop3A_145 = arith.muli %parallel_loop3A_129, %parallel_loop3A_144 : i32
        %parallel_loop3A_146 = arith.constant 1 : i32
        %parallel_loop3A_147 = arith.index_cast %parallel_loop3A_146 : i32 to index
        %parallel_loop3A_148 = arith.index_cast %parallel_loop3A_145 : i32 to index
        %parallel_loop3A_149 = tpu.vector_load %arg8[%parallel_loop3A_147, %parallel_loop3A_148] {strides = array<i32>} : memref<8x2048xf32, #tpu.memory_space<vmem>>, vector<16xf32>,
        tpu.vector_store %arg8[%parallel_loop3A_147, %parallel_loop3A_148], %parallel_loop3A_143 {strides = array<i32>} : memref<8x2048xf32, #tpu.memory_space<vmem>>, vector<16xf32>,
        %parallel_loop3A_150 = tpu.vector_load_idx %arg7[%broadcast_in_dim3A_7, %parallel_loop3A_135] : memref<8x4096xf32, #tpu.memory_space<vmem>>[vector<16xi32>, vector<16xi32>], vector<16xf32>,
        %parallel_loop3A_151 = arith.constant 16 : i32
        %parallel_loop3A_152 = arith.muli %parallel_loop3A_129, %parallel_loop3A_151 : i32
        %parallel_loop3A_153 = arith.constant 2 : i32
        %parallel_loop3A_154 = arith.index_cast %parallel_loop3A_153 : i32 to index
        %parallel_loop3A_155 = arith.index_cast %parallel_loop3A_152 : i32 to index
        %parallel_loop3A_156 = tpu.vector_load %arg8[%parallel_loop3A_154, %parallel_loop3A_155] {strides = array<i32>} : memref<8x2048xf32, #tpu.memory_space<vmem>>, vector<16xf32>,
        tpu.vector_store %arg8[%parallel_loop3A_154, %parallel_loop3A_155], %parallel_loop3A_150 {strides = array<i32>} : memref<8x2048xf32, #tpu.memory_space<vmem>>, vector<16xf32>,
        %parallel_loop3A_157 = tpu.vector_load_idx %arg7[%broadcast_in_dim3A_9, %parallel_loop3A_135] : memref<8x4096xf32, #tpu.memory_space<vmem>>[vector<16xi32>, vector<16xi32>], vector<16xf32>,
        %parallel_loop3A_158 = arith.constant 16 : i32
        %parallel_loop3A_159 = arith.muli %parallel_loop3A_129, %parallel_loop3A_158 : i32
        %parallel_loop3A_160 = arith.constant 3 : i32
        %parallel_loop3A_161 = arith.index_cast %parallel_loop3A_160 : i32 to index
        %parallel_loop3A_162 = arith.index_cast %parallel_loop3A_159 : i32 to index
        %parallel_loop3A_163 = tpu.vector_load %arg8[%parallel_loop3A_161, %parallel_loop3A_162] {strides = array<i32>} : memref<8x2048xf32, #tpu.memory_space<vmem>>, vector<16xf32>,
        tpu.vector_store %arg8[%parallel_loop3A_161, %parallel_loop3A_162], %parallel_loop3A_157 {strides = array<i32>} : memref<8x2048xf32, #tpu.memory_space<vmem>>, vector<16xf32>,
        %parallel_loop3A_164 = tpu.vector_load_idx %arg7[%broadcast_in_dim3A_11, %parallel_loop3A_135] : memref<8x4096xf32, #tpu.memory_space<vmem>>[vector<16xi32>, vector<16xi32>], vector<16xf32>,
        %parallel_loop3A_165 = arith.constant 16 : i32
        %parallel_loop3A_166 = arith.muli %parallel_loop3A_129, %parallel_loop3A_165 : i32
        %parallel_loop3A_167 = arith.constant 4 : i32
        %parallel_loop3A_168 = arith.index_cast %parallel_loop3A_167 : i32 to index
        %parallel_loop3A_169 = arith.index_cast %parallel_loop3A_166 : i32 to index
        %parallel_loop3A_170 = tpu.vector_load %arg8[%parallel_loop3A_168, %parallel_loop3A_169] {strides = array<i32>} : memref<8x2048xf32, #tpu.memory_space<vmem>>, vector<16xf32>,
        tpu.vector_store %arg8[%parallel_loop3A_168, %parallel_loop3A_169], %parallel_loop3A_164 {strides = array<i32>} : memref<8x2048xf32, #tpu.memory_space<vmem>>, vector<16xf32>,
        %parallel_loop3A_171 = tpu.vector_load_idx %arg7[%broadcast_in_dim3A_13, %parallel_loop3A_135] : memref<8x4096xf32, #tpu.memory_space<vmem>>[vector<16xi32>, vector<16xi32>], vector<16xf32>,
        %parallel_loop3A_172 = arith.constant 16 : i32
        %parallel_loop3A_173 = arith.muli %parallel_loop3A_129, %parallel_loop3A_172 : i32
        %parallel_loop3A_174 = arith.constant 5 : i32
        %parallel_loop3A_175 = arith.index_cast %parallel_loop3A_174 : i32 to index
        %parallel_loop3A_176 = arith.index_cast %parallel_loop3A_173 : i32 to index
        %parallel_loop3A_177 = tpu.vector_load %arg8[%parallel_loop3A_175, %parallel_loop3A_176] {strides = array<i32>} : memref<8x2048xf32, #tpu.memory_space<vmem>>, vector<16xf32>,
        tpu.vector_store %arg8[%parallel_loop3A_175, %parallel_loop3A_176], %parallel_loop3A_171 {strides = array<i32>} : memref<8x2048xf32, #tpu.memory_space<vmem>>, vector<16xf32>,
        %parallel_loop3A_178 = tpu.vector_load_idx %arg7[%broadcast_in_dim3A_15, %parallel_loop3A_135] : memref<8x4096xf32, #tpu.memory_space<vmem>>[vector<16xi32>, vector<16xi32>], vector<16xf32>,
        %parallel_loop3A_179 = arith.constant 16 : i32
        %parallel_loop3A_180 = arith.muli %parallel_loop3A_129, %parallel_loop3A_179 : i32
        %parallel_loop3A_181 = arith.constant 6 : i32
        %parallel_loop3A_182 = arith.index_cast %parallel_loop3A_181 : i32 to index
        %parallel_loop3A_183 = arith.index_cast %parallel_loop3A_180 : i32 to index
        %parallel_loop3A_184 = tpu.vector_load %arg8[%parallel_loop3A_182, %parallel_loop3A_183] {strides = array<i32>} : memref<8x2048xf32, #tpu.memory_space<vmem>>, vector<16xf32>,
        tpu.vector_store %arg8[%parallel_loop3A_182, %parallel_loop3A_183], %parallel_loop3A_178 {strides = array<i32>} : memref<8x2048xf32, #tpu.memory_space<vmem>>, vector<16xf32>,
        %parallel_loop3A_185 = tpu.vector_load_idx %arg7[%broadcast_in_dim3A_17, %parallel_loop3A_135] : memref<8x4096xf32, #tpu.memory_space<vmem>>[vector<16xi32>, vector<16xi32>], vector<16xf32>,
        %parallel_loop3A_186 = arith.constant 16 : i32
        %parallel_loop3A_187 = arith.muli %parallel_loop3A_129, %parallel_loop3A_186 : i32
        %parallel_loop3A_188 = arith.constant 7 : i32
        %parallel_loop3A_189 = arith.index_cast %parallel_loop3A_188 : i32 to index
        %parallel_loop3A_190 = arith.index_cast %parallel_loop3A_187 : i32 to index
        %parallel_loop3A_191 = tpu.vector_load %arg8[%parallel_loop3A_189, %parallel_loop3A_190] {strides = array<i32>} : memref<8x2048xf32, #tpu.memory_space<vmem>>, vector<16xf32>,
        tpu.vector_store %arg8[%parallel_loop3A_189, %parallel_loop3A_190], %parallel_loop3A_185 {strides = array<i32>} : memref<8x2048xf32, #tpu.memory_space<vmem>>, vector<16xf32>,
      } {sc.loop_unroll_factor = 2 : i64, sc.parallel_access}
      %mul3A_107 = arith.constant 8 : i32
      %mul3A_108 = arith.muli %add3A_84, %mul3A_107 : i32
      %add3A_109 = arith.addi %mul3A_2, %mul3A_108 : i32
      %dma_start3A_110 = arith.constant 0 : i32
      %dma_start3A_111 = tpu.memref_slice %arg4[%add3A_109, %dma_start3A_110] : memref<16384x4096xf32, #tpu.memory_space<hbm>> -> memref<8x2048xf32, #tpu.memory_space<hbm>>
      %dma_start3A_112 = arith.constant 0 : i32
      %dma_start3A_113 = tpu.memref_slice %arg4[%add3A_109, %dma_start3A_112] : memref<16384x4096xf32, #tpu.memory_space<hbm>> -> memref<8x2048xf32, #tpu.memory_space<hbm>>
      tpu.enqueue_dma source(%arg8 : memref<8x2048xf32, #tpu.memory_space<vmem>>) target(%dma_start3A_113 : memref<8x2048xf32, #tpu.memory_space<hbm>>) target_semaphore(%arg12 : memref<!tpu.dma_semaphore, #tpu.memory_space<semaphore_mem>>)
      %gt3A_114 = arith.constant 0 : i32
      %gt3A_115 = arith.cmpi sgt, %add3A_84, %gt3A_114 : i32
      %convert_element_type3A_116 = arith.extui %gt3A_115 : i1 to i32
      %cond3A_117 = arith.constant 0 : i32
      %cond3A_118 = arith.cmpi ne, %convert_element_type3A_116, %cond3A_117 : i32
      scf.if %cond3A_118 {
        %mul3A_129 = arith.constant 8 : i32
        %mul3A_130 = arith.muli %add3A_84, %mul3A_129 : i32
        %add3A_131 = arith.addi %mul3A_2, %mul3A_130 : i32
        %dma_wait3A_132 = arith.constant 2048 : i32
        %dma_wait3A_133 = tpu.memref_slice %arg4[%add3A_131, %dma_wait3A_132] : memref<16384x4096xf32, #tpu.memory_space<hbm>> -> memref<8x2048xf32, #tpu.memory_space<hbm>>
        %dma_wait3A_134 = arith.constant 2048 : i32
        %dma_wait3A_135 = tpu.memref_slice %arg4[%add3A_131, %dma_wait3A_134] : memref<16384x4096xf32, #tpu.memory_space<hbm>> -> memref<8x2048xf32, #tpu.memory_space<hbm>>
        tpu.wait_dma2 semaphore(%arg13 : memref<!tpu.dma_semaphore, #tpu.memory_space<semaphore_mem>>) src(%arg9 : memref<8x2048xf32, #tpu.memory_space<vmem>>) dst(%dma_wait3A_135 : memref<8x2048xf32, #tpu.memory_space<hbm>>)
      } else {
      }
      %parallel_loop3A_119 = arith.constant 0 : i32
      %parallel_loop3A_120 = arith.constant 128 : i32
      %parallel_loop3A_121 = arith.constant 1 : i32
      scf.for %parallel_loop3A_129 = %parallel_loop3A_119 to %parallel_loop3A_120 step %parallel_loop3A_121  : i32 {
        %parallel_loop3A_130 = arith.constant 128 : i32
        %parallel_loop3A_131 = arith.addi %parallel_loop3A_130, %parallel_loop3A_129 : i32
        %parallel_loop3A_132 = arith.constant 16 : i32
        %parallel_loop3A_133 = arith.muli %parallel_loop3A_131, %parallel_loop3A_132 : i32
        %parallel_loop3A_134 = arith.index_cast %parallel_loop3A_133 : i32 to index
        %parallel_loop3A_135 = tpu.vector_load %arg5[%parallel_loop3A_134] {strides = array<i32>} : memref<4096xi32, #tpu.memory_space<vmem>>, vector<16xi32>,
        %parallel_loop3A_136 = tpu.vector_load_idx %arg7[%broadcast_in_dim3A_3, %parallel_loop3A_135] : memref<8x4096xf32, #tpu.memory_space<vmem>>[vector<16xi32>, vector<16xi32>], vector<16xf32>,
        %parallel_loop3A_137 = arith.constant 16 : i32
        %parallel_loop3A_138 = arith.muli %parallel_loop3A_129, %parallel_loop3A_137 : i32
        %parallel_loop3A_139 = arith.constant 0 : i32
        %parallel_loop3A_140 = arith.index_cast %parallel_loop3A_139 : i32 to index
        %parallel_loop3A_141 = arith.index_cast %parallel_loop3A_138 : i32 to index
        %parallel_loop3A_142 = tpu.vector_load %arg9[%parallel_loop3A_140, %parallel_loop3A_141] {strides = array<i32>} : memref<8x2048xf32, #tpu.memory_space<vmem>>, vector<16xf32>,
        tpu.vector_store %arg9[%parallel_loop3A_140, %parallel_loop3A_141], %parallel_loop3A_136 {strides = array<i32>} : memref<8x2048xf32, #tpu.memory_space<vmem>>, vector<16xf32>,
        %parallel_loop3A_143 = tpu.vector_load_idx %arg7[%broadcast_in_dim3A_5, %parallel_loop3A_135] : memref<8x4096xf32, #tpu.memory_space<vmem>>[vector<16xi32>, vector<16xi32>], vector<16xf32>,
        %parallel_loop3A_144 = arith.constant 16 : i32
        %parallel_loop3A_145 = arith.muli %parallel_loop3A_129, %parallel_loop3A_144 : i32
        %parallel_loop3A_146 = arith.constant 1 : i32
        %parallel_loop3A_147 = arith.index_cast %parallel_loop3A_146 : i32 to index
        %parallel_loop3A_148 = arith.index_cast %parallel_loop3A_145 : i32 to index
        %parallel_loop3A_149 = tpu.vector_load %arg9[%parallel_loop3A_147, %parallel_loop3A_148] {strides = array<i32>} : memref<8x2048xf32, #tpu.memory_space<vmem>>, vector<16xf32>,
        tpu.vector_store %arg9[%parallel_loop3A_147, %parallel_loop3A_148], %parallel_loop3A_143 {strides = array<i32>} : memref<8x2048xf32, #tpu.memory_space<vmem>>, vector<16xf32>,
        %parallel_loop3A_150 = tpu.vector_load_idx %arg7[%broadcast_in_dim3A_7, %parallel_loop3A_135] : memref<8x4096xf32, #tpu.memory_space<vmem>>[vector<16xi32>, vector<16xi32>], vector<16xf32>,
        %parallel_loop3A_151 = arith.constant 16 : i32
        %parallel_loop3A_152 = arith.muli %parallel_loop3A_129, %parallel_loop3A_151 : i32
        %parallel_loop3A_153 = arith.constant 2 : i32
        %parallel_loop3A_154 = arith.index_cast %parallel_loop3A_153 : i32 to index
        %parallel_loop3A_155 = arith.index_cast %parallel_loop3A_152 : i32 to index
        %parallel_loop3A_156 = tpu.vector_load %arg9[%parallel_loop3A_154, %parallel_loop3A_155] {strides = array<i32>} : memref<8x2048xf32, #tpu.memory_space<vmem>>, vector<16xf32>,
        tpu.vector_store %arg9[%parallel_loop3A_154, %parallel_loop3A_155], %parallel_loop3A_150 {strides = array<i32>} : memref<8x2048xf32, #tpu.memory_space<vmem>>, vector<16xf32>,
        %parallel_loop3A_157 = tpu.vector_load_idx %arg7[%broadcast_in_dim3A_9, %parallel_loop3A_135] : memref<8x4096xf32, #tpu.memory_space<vmem>>[vector<16xi32>, vector<16xi32>], vector<16xf32>,
        %parallel_loop3A_158 = arith.constant 16 : i32
        %parallel_loop3A_159 = arith.muli %parallel_loop3A_129, %parallel_loop3A_158 : i32
        %parallel_loop3A_160 = arith.constant 3 : i32
        %parallel_loop3A_161 = arith.index_cast %parallel_loop3A_160 : i32 to index
        %parallel_loop3A_162 = arith.index_cast %parallel_loop3A_159 : i32 to index
        %parallel_loop3A_163 = tpu.vector_load %arg9[%parallel_loop3A_161, %parallel_loop3A_162] {strides = array<i32>} : memref<8x2048xf32, #tpu.memory_space<vmem>>, vector<16xf32>,
        tpu.vector_store %arg9[%parallel_loop3A_161, %parallel_loop3A_162], %parallel_loop3A_157 {strides = array<i32>} : memref<8x2048xf32, #tpu.memory_space<vmem>>, vector<16xf32>,
        %parallel_loop3A_164 = tpu.vector_load_idx %arg7[%broadcast_in_dim3A_11, %parallel_loop3A_135] : memref<8x4096xf32, #tpu.memory_space<vmem>>[vector<16xi32>, vector<16xi32>], vector<16xf32>,
        %parallel_loop3A_165 = arith.constant 16 : i32
        %parallel_loop3A_166 = arith.muli %parallel_loop3A_129, %parallel_loop3A_165 : i32
        %parallel_loop3A_167 = arith.constant 4 : i32
        %parallel_loop3A_168 = arith.index_cast %parallel_loop3A_167 : i32 to index
        %parallel_loop3A_169 = arith.index_cast %parallel_loop3A_166 : i32 to index
        %parallel_loop3A_170 = tpu.vector_load %arg9[%parallel_loop3A_168, %parallel_loop3A_169] {strides = array<i32>} : memref<8x2048xf32, #tpu.memory_space<vmem>>, vector<16xf32>,
        tpu.vector_store %arg9[%parallel_loop3A_168, %parallel_loop3A_169], %parallel_loop3A_164 {strides = array<i32>} : memref<8x2048xf32, #tpu.memory_space<vmem>>, vector<16xf32>,
        %parallel_loop3A_171 = tpu.vector_load_idx %arg7[%broadcast_in_dim3A_13, %parallel_loop3A_135] : memref<8x4096xf32, #tpu.memory_space<vmem>>[vector<16xi32>, vector<16xi32>], vector<16xf32>,
        %parallel_loop3A_172 = arith.constant 16 : i32
        %parallel_loop3A_173 = arith.muli %parallel_loop3A_129, %parallel_loop3A_172 : i32
        %parallel_loop3A_174 = arith.constant 5 : i32
        %parallel_loop3A_175 = arith.index_cast %parallel_loop3A_174 : i32 to index
        %parallel_loop3A_176 = arith.index_cast %parallel_loop3A_173 : i32 to index
        %parallel_loop3A_177 = tpu.vector_load %arg9[%parallel_loop3A_175, %parallel_loop3A_176] {strides = array<i32>} : memref<8x2048xf32, #tpu.memory_space<vmem>>, vector<16xf32>,
        tpu.vector_store %arg9[%parallel_loop3A_175, %parallel_loop3A_176], %parallel_loop3A_171 {strides = array<i32>} : memref<8x2048xf32, #tpu.memory_space<vmem>>, vector<16xf32>,
        %parallel_loop3A_178 = tpu.vector_load_idx %arg7[%broadcast_in_dim3A_15, %parallel_loop3A_135] : memref<8x4096xf32, #tpu.memory_space<vmem>>[vector<16xi32>, vector<16xi32>], vector<16xf32>,
        %parallel_loop3A_179 = arith.constant 16 : i32
        %parallel_loop3A_180 = arith.muli %parallel_loop3A_129, %parallel_loop3A_179 : i32
        %parallel_loop3A_181 = arith.constant 6 : i32
        %parallel_loop3A_182 = arith.index_cast %parallel_loop3A_181 : i32 to index
        %parallel_loop3A_183 = arith.index_cast %parallel_loop3A_180 : i32 to index
        %parallel_loop3A_184 = tpu.vector_load %arg9[%parallel_loop3A_182, %parallel_loop3A_183] {strides = array<i32>} : memref<8x2048xf32, #tpu.memory_space<vmem>>, vector<16xf32>,
        tpu.vector_store %arg9[%parallel_loop3A_182, %parallel_loop3A_183], %parallel_loop3A_178 {strides = array<i32>} : memref<8x2048xf32, #tpu.memory_space<vmem>>, vector<16xf32>,
        %parallel_loop3A_185 = tpu.vector_load_idx %arg7[%broadcast_in_dim3A_17, %parallel_loop3A_135] : memref<8x4096xf32, #tpu.memory_space<vmem>>[vector<16xi32>, vector<16xi32>], vector<16xf32>,
        %parallel_loop3A_186 = arith.constant 16 : i32
        %parallel_loop3A_187 = arith.muli %parallel_loop3A_129, %parallel_loop3A_186 : i32
        %parallel_loop3A_188 = arith.constant 7 : i32
        %parallel_loop3A_189 = arith.index_cast %parallel_loop3A_188 : i32 to index
        %parallel_loop3A_190 = arith.index_cast %parallel_loop3A_187 : i32 to index
        %parallel_loop3A_191 = tpu.vector_load %arg9[%parallel_loop3A_189, %parallel_loop3A_190] {strides = array<i32>} : memref<8x2048xf32, #tpu.memory_space<vmem>>, vector<16xf32>,
        tpu.vector_store %arg9[%parallel_loop3A_189, %parallel_loop3A_190], %parallel_loop3A_185 {strides = array<i32>} : memref<8x2048xf32, #tpu.memory_space<vmem>>, vector<16xf32>,
      } {sc.loop_unroll_factor = 2 : i64, sc.parallel_access}
      %mul3A_122 = arith.constant 8 : i32
      %mul3A_123 = arith.muli %add3A_84, %mul3A_122 : i32
      %add3A_124 = arith.addi %mul3A_2, %mul3A_123 : i32
      %dma_start3A_125 = arith.constant 2048 : i32
      %dma_start3A_126 = tpu.memref_slice %arg4[%add3A_124, %dma_start3A_125] : memref<16384x4096xf32, #tpu.memory_space<hbm>> -> memref<8x2048xf32, #tpu.memory_space<hbm>>
      %dma_start3A_127 = arith.constant 2048 : i32
      %dma_start3A_128 = tpu.memref_slice %arg4[%add3A_124, %dma_start3A_127] : memref<16384x4096xf32, #tpu.memory_space<hbm>> -> memref<8x2048xf32, #tpu.memory_space<hbm>>
      tpu.enqueue_dma source(%arg9 : memref<8x2048xf32, #tpu.memory_space<vmem>>) target(%dma_start3A_128 : memref<8x2048xf32, #tpu.memory_space<hbm>>) target_semaphore(%arg13 : memref<!tpu.dma_semaphore, #tpu.memory_space<semaphore_mem>>)
    }
    %scan3A_27 = arith.constant 32 : i32
    %add3A_28 = arith.constant 504 : i32
    %add3A_29 = arith.addi %mul3A_2, %add3A_28 : i32
    %dma_wait3A = arith.constant 0 : i32
    %dma_wait3A_30 = tpu.memref_slice %arg4[%add3A_29, %dma_wait3A] : memref<16384x4096xf32, #tpu.memory_space<hbm>> -> memref<8x2048xf32, #tpu.memory_space<hbm>>
    %dma_wait3A_31 = arith.constant 0 : i32
    %dma_wait3A_32 = tpu.memref_slice %arg4[%add3A_29, %dma_wait3A_31] : memref<16384x4096xf32, #tpu.memory_space<hbm>> -> memref<8x2048xf32, #tpu.memory_space<hbm>>
    tpu.wait_dma2 semaphore(%arg12 : memref<!tpu.dma_semaphore, #tpu.memory_space<semaphore_mem>>) src(%arg8 : memref<8x2048xf32, #tpu.memory_space<vmem>>) dst(%dma_wait3A_32 : memref<8x2048xf32, #tpu.memory_space<hbm>>)
    %add3A_33 = arith.constant 504 : i32
    %add3A_34 = arith.addi %mul3A_2, %add3A_33 : i32
    %dma_wait3A_35 = arith.constant 2048 : i32
    %dma_wait3A_36 = tpu.memref_slice %arg4[%add3A_34, %dma_wait3A_35] : memref<16384x4096xf32, #tpu.memory_space<hbm>> -> memref<8x2048xf32, #tpu.memory_space<hbm>>
    %dma_wait3A_37 = arith.constant 2048 : i32
    %dma_wait3A_38 = tpu.memref_slice %arg4[%add3A_34, %dma_wait3A_37] : memref<16384x4096xf32, #tpu.memory_space<hbm>> -> memref<8x2048xf32, #tpu.memory_space<hbm>>
    tpu.wait_dma2 semaphore(%arg13 : memref<!tpu.dma_semaphore, #tpu.memory_space<semaphore_mem>>) src(%arg9 : memref<8x2048xf32, #tpu.memory_space<vmem>>) dst(%dma_wait3A_38 : memref<8x2048xf32, #tpu.memory_space<hbm>>)
    return
  }
}

</mosaic_0001>

<sc_bundles>
// kernel: kernel.3.cloned.1.call-start
scs
__scs_entry_jumppad:
0x0: {  	(pc) =	sbr.rel $0x88, $3  }
0x1: {  	(tag) =	ssettag $0x0;
	lr =	simm.s32 $0x1  }
0x2: {  	[smem:$0x3F9F] =	sst lr;
	_ =	strace $0xD0000000  }
0x3: {  	_ = 	snop  }
0x4: {  	_ = 	snop  }
0x5: {  	_ = 	snop  }
0x6: {  	_ = 	snop  }
0x7: {  	_ = 	snop  }
__scs_overlays_trampoline_lowered:
0x8: {  	[smem:$0x3FAE] =	sst s0  }
0x9: {  	[smem:$0x3FAF] =	sst s1  }
0xa: {  	[smem:$0x3FB0] =	sst s2  }
0xb: {  	[smem:$0x3FB1] =	sst s3  }
0xc: {  	[smem:$0x3FB2] =	sst s4  }
0xd: {  	[smem:$0x3FB3] =	sst s5  }
0xe: {  	[smem:$0x3FB4] =	sst s6  }
0xf: {  	[smem:$0x3FB5] =	sst s7  }
0x10: {  	[smem:$0x3FB6] =	sst s8  }
0x11: {  	[smem:$0x3FB7] =	sst s9;
	s0 =	simm.s32 @!p0 $0x0  }
0x12: {  	s1 =	sld [smem:$0x3F9D];
	s0 =	simm.s32 @p0 $0x1  }
0x13: {  	[smem:$0x3FB8] =	sst s0;
	s0 =	simm.s32 @!p1 $0x0  }
0x14: {  	s2 =	sld [smem:$0x3F9C];
	s0 =	simm.s32 @p1 $0x1  }
0x15: {  	[smem:$0x3FB9] =	sst s0;
	s0 =	simm.s32 @!p2 $0x0  }
0x16: {  	s3 =	sld [smem:$0x3FDB];
	s0 =	simm.s32 @p2 $0x1  }
0x17: {  	s4 =	simm.s32 $0x1BF5;
	[smem:$0x3FBB] =	sst s0  }
0x18: {  	s0 =	sld [smem:$0x3F9E];
	_ =	swait.ge [sflag:s4], $0x0  }
0x19: {  	s7 =	sld [smem:$0x3F9F]  }
0x1a: {  	s8 =	sadd.s32 $0xFFFFE003, lr  }
0x1b: {  	s9 =	sadd.s32 $0xFFFFFEF7, lr;
	s5 =	simm.s32 $0xFFFFFFFF;
	p2 =	slt.u32 s8, $0xFFFFF086  }
0x1c: {  	p1 =	slt.u32 s9, $0xF7A;
	s5 =	simm.s32 @!p2 $0x0  }
0x1d: {  	s5 =	simm.s32 @p1 $0x1;
	p0 =	seq.s32 s7, s2  }
0x1e: {  	s7 =	smul.u32 @!p0 $0xF7A, s2;
	p2 =	seq.s32 @!p0 s5, $0x0  }
0x1f: {  	s9 =	smul.u32 $0xF7A, s1;
	s8 =	simm.s32 @!p0 $0x1BF5;
	p2 =	por !p2, p0  }
0x20: {  	[sflag:s8] =	ssyncset.s32 @!p0 $0xFFFFF086;
	s6 =	sadd.s32 @!p0 s3, s7;
	s7 =	simm.s32 @!p0 $0x108  }
0x21: {  	s3 =	sadd.s32 s3, s9;
	s6 =	sadd.s32 @!p0 $0x88, s6;
	s7 =	simm.s32 @p2 $0x1082  }
0x22: {  	[simem:s7], [sflag:s8] =	dma.local @!p0 [hbm:s6], $0xF7A  }
0x23: {  	s9 =	sor.u32 $0xD0000000, s2;
	s6 =	simm.s32 $0x108;
	_ =	swait.ge @!p0 [sflag:s8], $0x0  }
0x24: {  	s3 =	sadd.s32 $0x88, s3;
	s6 =	simm.s32 @!p1 $0x1082;
	[sflag:s4] =	ssyncset.s32 $0xFFFFF086  }
0x25: {  	[simem:s6], [sflag:s4] =	dma.local [hbm:s3], $0xF7A  }
0x26: {  	[smem:$0x3F9F] =	sst s1;
	(tag) =	ssettag s2;
	_ =	strace s9  }
0x27: {  	s1 =	sld [smem:$0x3FAF]  }
0x28: {  	s2 =	sld [smem:$0x3FB0]  }
0x29: {  	s4 =	sld [smem:$0x3FB2]  }
0x2a: {  	p0 =	seq.s32 s5, $0x0;
	s5 =	sld [smem:$0x3FB3]  }
0x2b: {  	s6 =	sld [smem:$0x3FB4]  }
0x2c: {  	s7 =	sld [smem:$0x3FB5]  }
0x2d: {  	s3 =	simm.s32 $0x108;
	s8 =	sld [smem:$0x3FB6]  }
0x2e: {  	s3 =	simm.s32 @!p0 $0x1082;
	s9 =	sld [smem:$0x3FB7]  }
0x2f: {  	lr =	sadd.s32 s0, s3;
	s0 =	sld [smem:$0x3FAE]  }
0x30: {  	s3 =	sld [smem:$0x3FB1]  }
0x31: {  	[smem:$0x3FBA] =	sst s10  }
0x32: {  	s10 =	sld [smem:$0x3FB8];
	_ =	sdelay $0x3  }
0x33: {  	p0 =	seq.s32 s10, $0x1;
	s10 =	sld [smem:$0x3FBA];
	_ =	sdelay $0x3  }
0x34: {  	[smem:$0x3FBA] =	sst s10  }
0x35: {  	s10 =	sld [smem:$0x3FB9];
	_ =	sdelay $0x3  }
0x36: {  	p1 =	seq.s32 s10, $0x1;
	s10 =	sld [smem:$0x3FBA];
	_ =	sdelay $0x3  }
0x37: {  	[smem:$0x3FBA] =	sst s10  }
0x38: {  	s10 =	sld [smem:$0x3FBB]  }
0x39: {  	_ = 	snop;
	(pc) =	sbr.ind lr, $3  }
0x3a: {  	_ = 	snop  }
0x3b: {  	_ = 	snop  }
0x3c: {  	p2 =	seq.s32 s10, $0x1;
	s10 =	sld [smem:$0x3FBA]  }
0x3d: {  	_ =	shalt  }
0x3e: {  	_ =	shalt  }
0x3f: {  	_ =	shalt  }
0x40: {  	_ =	shalt  }
0x41: {  	_ =	shalt  }
0x42: {  	_ =	shalt  }
0x43: {  	_ =	shalt  }
0x44: {  	_ =	shalt  }
0x45: {  	_ =	shalt  }
0x46: {  	_ =	shalt  }
0x47: {  	_ =	shalt  }
0x48: {  	_ =	shalt  }
0x49: {  	_ =	shalt  }
0x4a: {  	_ =	shalt  }
0x4b: {  	_ =	shalt  }
0x4c: {  	_ =	shalt  }
0x4d: {  	_ =	shalt  }
0x4e: {  	_ =	shalt  }
0x4f: {  	_ =	shalt  }
0x50: {  	_ =	shalt  }
0x51: {  	_ =	shalt  }
0x52: {  	_ =	shalt  }
0x53: {  	_ =	shalt  }
0x54: {  	_ =	shalt  }
0x55: {  	_ =	shalt  }
0x56: {  	_ =	shalt  }
0x57: {  	_ =	shalt  }
0x58: {  	_ =	shalt  }
0x59: {  	_ =	shalt  }
0x5a: {  	_ =	shalt  }
0x5b: {  	_ =	shalt  }
0x5c: {  	_ =	shalt  }
0x5d: {  	_ =	shalt  }
0x5e: {  	_ =	shalt  }
0x5f: {  	_ =	shalt  }
0x60: {  	_ =	shalt  }
0x61: {  	_ =	shalt  }
0x62: {  	_ =	shalt  }
0x63: {  	_ =	shalt  }
0x64: {  	_ =	shalt  }
0x65: {  	_ =	shalt  }
0x66: {  	_ =	shalt  }
0x67: {  	_ =	shalt  }
0x68: {  	_ =	shalt  }
0x69: {  	_ =	shalt  }
0x6a: {  	_ =	shalt  }
0x6b: {  	_ =	shalt  }
0x6c: {  	_ =	shalt  }
0x6d: {  	_ =	shalt  }
0x6e: {  	_ =	shalt  }
0x6f: {  	_ =	shalt  }
0x70: {  	_ =	shalt  }
0x71: {  	_ =	shalt  }
0x72: {  	_ =	shalt  }
0x73: {  	_ =	shalt  }
0x74: {  	_ =	shalt  }
0x75: {  	_ =	shalt  }
0x76: {  	_ =	shalt  }
0x77: {  	_ =	shalt  }
0x78: {  	_ =	shalt  }
0x79: {  	_ =	shalt  }
0x7a: {  	_ =	shalt  }
0x7b: {  	_ =	shalt  }
0x7c: {  	_ =	shalt  }
0x7d: {  	_ =	shalt  }
0x7e: {  	_ =	shalt  }
0x7f: {  	_ =	shalt  }
0x80: {  	_ =	shalt  }
0x81: {  	_ =	shalt  }
0x82: {  	_ =	shalt  }
0x83: {  	_ =	shalt  }
0x84: {  	_ =	shalt  }
0x85: {  	_ =	shalt  }
0x86: {  	_ =	shalt  }
0x87: {  	_ =	shalt  }
.Lfunc_end0:
.L_simem_size_0:
called_computation_lowered:
.L_overlay_start_0:
0x88: {  	s2 =	sld [smem:$0x3FD9]  }
0x89: {  	s3 =	sld [smem:$0x3FFE];
	_ =	sdelay $0x1  }
0x8a: {  	s1 =	srdreg.scid  }
0x8b: {  	s0 =	sand.u32 $0x1, s1  }
0x8c: {  	s15 =	sshll.u32 s0, $0xA;
	s2 =	sadd.s32 s3, s2  }
0x8d: {  	s2 =	sadd.s32 s2, s15  }
0x8e: {  	[smem:$0x3FC6] =	sst s2  }
0x8f: {  	_ = 	snop  }
0x90: {  	s2 =	sld [smem:$0x3FD0];
	_ =	sdelay $0x1  }
0x91: {  	s16 =	sld [smem:$0x3FC9]  }
0x92: {  	s5 =	simm.s32 $0xA;
	s6 =	simm.s32 $0x10;
	s4 =	sld [smem:$0x3FC8]  }
0x93: {  	[smem:s6], [sflag:s5] =	dma.local [hbm:s2], $0x1  }
0x94: {  	_ =	swait.eq [sflag:s5], $0x1  }
0x95: {  	[sflag:s5] =	ssyncset.done $0x0  }
0x96: {  	[sflag:s5] =	ssyncadd.s32 $0xFFFFFFFF  }
0x97: {  	s17 =	sld [smem:$0x10];
	(tm) =	ssettm $0x1  }
0x98: {  	s18 =	sld [smem:$0x3FFB];
	_ =	sdelay $0x3  }
0x99: {  	_ =	strace s18  }
0x9a: {  	s5 =	sld [smem:$0x3FFC];
	_ =	sdelay $0x3  }
0x9b: {  	_ =	strace s5  }
0x9c: {  	s5 =	sld [smem:$0x3FFD];
	_ =	sdelay $0x3  }
0x9d: {  	_ =	strace s5  }
0x9e: {  	_ =	strace $0x8FFFFFFF  }
0x9f: {  	s19 =	sld [smem:$0x3FDB];
	_ =	sdelay $0x1  }
0xa0: {  	s20 =	simm.s32 $_scs_section_size  }
0xa1: {  	s7 =	simm.s32 $_size__tile_overlayer_lowered;
	s8 =	simm.s32 $_tile_overlayer_lowered  }
0xa2: {  	s23 =	simm.s32 $0x1BFF;
	s22 =	sshll.u32 s8, $0x1;
	s5 =	sadd.s32 s20, s19  }
0xa3: {  	s9 =	simm.s32 $0x0;
	s21 =	sshll.u32 s7, $0x1;
	s7 =	sadd.s32 s22, s5  }
0xa4: {  	[timem:s9], [sflag:s23] =	dma.local [hbm:s7], s21  }
0xa5: {  	_ =	swait.ge [sflag:s23], s21  }
0xa6: {  	s6 =	ssub.s32 $0x0, s21;
	[sflag:s23] =	ssyncset.done $0x0  }
0xa7: {  	[sflag:s23] =	ssyncadd.s32 s6;
	_ =	sdelay $0x1  }
0xa8: {  	s24 =	simm.s32 $0x1B8B  }
0xa9: {  	_ =	swait.ge [sflag:s24], $0x1  }
0xaa: {  	[sflag:s24] =	ssyncset.done $0x0  }
0xab: {  	s25 =	simm.s32 $0x1B8E;
	[sflag:s24] =	ssyncadd.s32 $0xFFFFFFFF  }
0xac: {  	s26 =	simm.s32 $execute0_lowered;
	[smem:$0x3FD2] =	sst s25  }
0xad: {  	s6 =	sshll.u32 s26, $0x1;
	_ =	strace $0x80000046;
	[dreg:$0x1] =	wrdreg $0xFFFFFFFF  }
0xae: {  	s28 =	simm.s32 $_size_execute0_lowered;
	s5 =	sadd.s32 s5, s6;
	[dreg:$0x0] =	wrdreg $0x0  }
0xaf: {  	s6 =	sshll.u32 s28, $0x1;
	[dreg:$0x2] =	wrdreg s5  }
0xb0: {  	[dreg:$0x3] =	wrdreg s6  }
0xb1: {  	[dreg:$0x4] =	wrdreg $0xC0  }
0xb2: {  	_ =	task [dreg:s9], $0x5FFFF  }
0xb3: {  	[dreg:$0x1] =	wrdreg $0xFFFFFFFF  }
0xb4: {  	[dreg:$0x0] =	wrdreg $0x60  }
0xb5: {  	[dreg:$0x2] =	wrdreg s16  }
0xb6: {  	[dreg:$0x3] =	wrdreg s4  }
0xb7: {  	[dreg:$0x4] =	wrdreg s17  }
0xb8: {  	[dreg:$0x5] =	wrdreg $0x9  }
0xb9: {  	_ =	task.clear_ibuf [dreg:s9], $0x6FFFF;
	_ =	strace $0x90000046  }
0xba: {  	s29 =	simm.s32 $0x9;
	_ =	strace $0x80000048  }
0xbb: {  	_ =	swait.ge [sflag:s29], $0x1  }
0xbc: {  	[sflag:s29] =	ssyncadd.s32 $0xFFFFFFFF  }
0xbd: {  	_ =	strace $0x90000048  }
0xbe: {  	_ =	sfence  }
0xbf: {  	s30 =	sld [smem:$0x0];
	_ =	sdelay $0x2  }
0xc0: {  	s31 =	sshll.u32 s1, $0xD;
	s1 =	sshrl.u32 s1, $0x2  }
0xc1: {  	s3 =	sand.u32 $0x4000, s31;
	s1 =	sadd.s32 s1, s30  }
0xc2: {  	s0 =	sor.u32 s3, s0;
	s1 =	sshll.u32 s1, $0x11  }
0xc3: {  	s0 =	sor.u32 s1, s0  }
0xc4: {  	s0 =	sadd.s32 $0x8F2B, s0  }
0xc5: {  	[sflag:s0] =	ssyncadd.remote.s32 $0x1  }
0xc6: {  	_ =	sfence.sel $0xFFFF  }
0xc7: {  	[dreg:$0x0] =	wrdreg $0xFFFFFFFF;
	(pc) =	sbr.abs _section_cstart, $3  }
0xc8: {  	[dreg:$0x1] =	wrdreg $0xFFFFFFFF  }
0xc9: {  	_ =	task.clear_ibuf [dreg:s9], $0x2FFFF;
	_ =	strace $0x9FFFFFFF  }
0xca: {  	(tm) =	ssettm $0x7FFFFFFF  }
0xcb: {  	_ =	shalt  }
tec
execute0_lowered:
.L_overlay_start_1:
0x0: {  	(tag) =	ssettag $0x1  }
0x1: {  	s31 =	rddreg [dreg:$0x0]  }
0x2: {  	s4 =	rddreg [dreg:$0x2];
	s0 =	srdreg.scid  }
0x3: {  	s6 =	simm.s32 $0x0;
	s2 =	stileid.u32;
	s0 =	sand.u32 $0x1, s0  }
0x4: {  	s2 =	sshll.u32 s2, $0xA;
	s1 =	ssub.s32 $0x2, s0;
	s0 =	sshll.u32 s0, $0x9  }
0x5: {  	[smem:$0x7FF] =	sst s6;
	s29 =	sadd.s32 $0x800, s4;
	s0 =	sor.u32 s0, s2  }
0x6: {  	_ =	strace $0x80000047;
	[dreg:$0x7] =	wrdreg s29;
	s2 =	sshll.u32 s0, $0x9  }
0x7: {  	s0 =	sshrl.u32 s0, $0x3;
	[dreg:$0x4] =	wrdreg s2  }
0x8: {  	s3 =	sshrl.u32 s1, $0x1;
	s2 =	sadd.s32 s31, s2;
	[dreg:$0x6] =	wrdreg s0  }
0x9: {  	s1 =	ssub.s32 s1, s3;
	s0 =	sor.u32 $0x2, s0;
	[dreg:$0x5] =	wrdreg s2  }
0xa: {  	s13 =	simm.s32 $0x1000;
	s30 =	smax.u32 s1, $0x1;
	[dreg:$0x8] =	wrdreg s0  }
0xb: {  	s14 =	simm.s32 $0x9000;
	[dreg:$0x9] =	wrdreg s30;
	s2 =	simm.s32 $0x0  }
.LBB2_1:
0xc: {  	[dreg:$0xa] =	wrdreg s2  }
0xd: {  	s0 =	rddreg [dreg:$0x1];
	s29 =	simm.s32 $0x5  }
0xe: {  	[tilespmem:s6], [sflag:$0x5] =	stream.linear.gather [hbm4b:s0+s6], $0x1000, $0x38;
	[tilespmem:$0x19000] =	vst v63  }
0xf: {  	_ =	swait.ge [sflag:s29], $0x1000  }
0x10: {  	[sflag:s29] =	ssyncset.done $0x0  }
0x11: {  	s22 =	simm.s32 $0x0;
	s30 =	rddreg [dreg:$0x5];
	[sflag:s29] =	ssyncadd.s32 $0xFFFFF000  }
0x12: {  	[tilespmem:s13], [sflag:$0x1] =	stream.linear.gather [hbm4b:s30+s6], $0x8000, $0x38;
	[tilespmem:$0x19000] =	vst v63  }
.LBB2_2:
0x13: {  	s24 =	sshll.u32 s22, $0x1;
	s0 =	rddreg [dreg:$0x6]  }
0x14: {  	s0 =	sor.u32 s24, s0  }
0x15: {  	s0 =	sshll.u32 s0, $0xC  }
0x16: {  	s23 =	sor.u32 $0x1000, s0  }
0x17: {  	s12 =	simm.s32 $0x1;
	s0 =	sadd.s32 s31, s23  }
0x18: {  	[tilespmem:s14], [sflag:$0x2] =	stream.linear.gather [hbm4b:s0+s6], $0x8000, $0x38;
	[tilespmem:$0x19000] =	vst v63  }
0x19: {  	_ =	swait.ge [sflag:s12], $0x8000  }
0x1a: {  	p0 =	seq.s32 s22, $0x0;
	[sflag:s12] =	ssyncset.done $0x0  }
0x1b: {  	s1 =	simm.s32 $0x0;
	s0 =	simm.s32 @!p0 $0x3;
	[sflag:s12] =	ssyncadd.s32 $0xFFFF8000  }
0x1c: {  	s2 =	sand.u32 $0x60, s1;
	_ =	swait.ge @!p0 [sflag:s0], $0x4000  }
0x1d: {  	s4 =	sand.u32 $0x780, s1;
	s3 =	sor.u32 $0x10, s2;
	[sflag:s0] =	ssyncset.done @!p0 $0x0  }
0x1e: {  	s15 =	sor.u32 s3, s4;
	[sflag:s0] =	ssyncadd.s32 @!p0 $0xFFFFC000  }
0x1f: {  	v0 =	vld [tilespmem:s15+$0x0];
	_ =	sdelay $0x3  }
0x20: {  	v2 =	vld [tilespmem:s1+$0x0]  }
0x21: {  	v1 =	vshll.u32 v0, $0x3  }
0x22: {  	v0 =	vand.u32 $0x7F, v0;
	v1 =	vand.u32 $0xFFFFFC00, v1  }
0x23: {  	s16 =	simm.s32 $0x20;
	v5 =	vor.u32 v0, v1  }
0x24: {  	s17 =	sand.u32 $0x60, s16  }
0x25: {  	s18 =	sand.u32 $0x780, s16;
	s7 =	sor.u32 $0x10, s17;
	v0 =	vshll.u32 v2, $0x3  }
0x26: {  	s6 =	sor.u32 s7, s18;
	v1 =	vand.u32 $0x7F, v2;
	v0 =	vand.u32 $0xFFFFFC00, v0  }
0x27: {  	v6 =	vor.u32 v1, v0;
	v0 =	vld [tilespmem:s6+$0x0]  }
0x28: {  	v2 =	vld.idx.msk [tilespmem:v5+s13+$0x0], $0xffff  }
0x29: {  	v1 =	vor.u32 $0x80, v5  }
0x2a: {  	s19 =	sand.u32 $0x3C00, s1  }
0x2b: {  	s6 =	sadd.s32 $0x11000, s19  }
0x2c: {  	s3 =	sor.u32 s3, s6;
	v3 =	vld.idx.msk [tilespmem:v6+s13+$0x0], $0xffff  }
0x2d: {  	v4 =	vor.u32 $0x80, v6;
	[tilespmem:s3+$0x0] =	vst v2;
	v2 =	vshll.u32 v0, $0x3  }
0x2e: {  	v0 =	vand.u32 $0x7F, v0;
	v7 =	vld.idx.msk [tilespmem:v1+s13+$0x0], $0xffff;
	v1 =	vand.u32 $0xFFFFFC00, v2  }
0x2f: {  	v1 =	vor.u32 v0, v1;
	v0 =	vld [tilespmem:s16+$0x0]  }
0x30: {  	s6 =	sor.u32 s2, s6  }
0x31: {  	s20 =	simm.s32 $0x40;
	v2 =	vor.u32 $0x100, v5;
	[tilespmem:s6+$0x0] =	vst v3  }
0x32: {  	s21 =	sand.u32 $0x60, s20;
	v3 =	vld.idx.msk [tilespmem:v4+s13+$0x0], $0xffff  }
0x33: {  	s10 =	sand.u32 $0x780, s20;
	s8 =	sor.u32 $0x10, s21;
	v8 =	vor.u32 $0x100, v6  }
0x34: {  	s10 =	sor.u32 s8, s10;
	[tilespmem:s3+$0x80] =	vst v7;
	v7 =	vld.idx.msk [tilespmem:v1+s13+$0x0], $0xffff;
	v4 =	vshll.u32 v0, $0x3  }
0x35: {  	s28 =	simm.s32 $0x100;
	v10 =	vld [tilespmem:s10+$0x0];
	v9 =	vor.u32 $0x80, v1;
	v0 =	vand.u32 $0x7F, v0;
	v4 =	vand.u32 $0xFFFFFC00, v4  }
0x36: {  	s26 =	sand.u32 $0x3C00, s28;
	v2 =	vld.idx.msk [tilespmem:v2+s13+$0x0], $0xffff;
	v4 =	vor.u32 v0, v4  }
0x37: {  	s10 =	sadd.s32 $0x11000, s26;
	[tilespmem:s6+$0x80] =	vst v3;
	v0 =	vor.u32 $0x180, v5  }
0x38: {  	s5 =	smov.u32 s31;
	s31 =	sor.u32 s7, s10;
	v3 =	vld.idx.msk [tilespmem:v8+s13+$0x0], $0xffff  }
0x39: {  	[tilespmem:s31+$0x0] =	vst v7;
	v7 =	vor.u32 $0x180, v6  }
0x3a: {  	v8 =	vld.idx.msk [tilespmem:v9+s13+$0x0], $0xffff  }
0x3b: {  	v11 =	vor.u32 $0x100, v1;
	[tilespmem:s3+$0x100] =	vst v2;
	v2 =	vshll.u32 v10, $0x3;
	v9 =	vld.idx.msk [tilespmem:v4+s13+$0x0], $0xffff  }
0x3c: {  	v13 =	vor.u32 $0x80, v4;
	v2 =	vand.u32 $0xFFFFFC00, v2;
	v12 =	vld.idx.msk [tilespmem:v0+s13+$0x0], $0xffff;
	v0 =	vand.u32 $0x7F, v10  }
0x3d: {  	[tilespmem:s6+$0x100] =	vst v3;
	v0 =	vor.u32 v0, v2;
	v2 =	vld [tilespmem:s20+$0x0]  }
0x3e: {  	v3 =	vor.u32 $0x200, v5;
	v7 =	vld.idx.msk [tilespmem:v7+s13+$0x0], $0xffff  }
0x3f: {  	s0 =	sor.u32 s17, s10;
	[tilespmem:s31+$0x80] =	vst v8;
	v8 =	vor.u32 $0x200, v6  }
0x40: {  	[tilespmem:s0+$0x0] =	vst v9;
	v9 =	vld.idx.msk [tilespmem:v11+s13+$0x0], $0xffff  }
0x41: {  	s7 =	simm.s32 $0x60;
	v11 =	vor.u32 $0x180, v1;
	v10 =	vld.idx.msk [tilespmem:v13+s13+$0x0], $0xffff  }
0x42: {  	s2 =	sand.u32 $0x60, s7;
	v14 =	vor.u32 $0x100, v4;
	[tilespmem:s3+$0x180] =	vst v12;
	v12 =	vld.idx.msk [tilespmem:v0+s13+$0x0], $0xffff;
	v13 =	vshll.u32 v2, $0x3  }
0x43: {  	s25 =	simm.s32 $0x200;
	s11 =	sand.u32 $0x780, s7;
	s9 =	sor.u32 $0x10, s2;
	v15 =	vor.u32 $0x80, v0;
	v3 =	vld.idx.msk [tilespmem:v3+s13+$0x0], $0xffff;
	v2 =	vand.u32 $0x7F, v2;
	v13 =	vand.u32 $0xFFFFFC00, v13;
	[tilespmem:s6+$0x180] =	vst v7  }
0x44: {  	s12 =	sand.u32 $0x3C00, s25;
	s11 =	sor.u32 s9, s11;
	v2 =	vor.u32 v2, v13;
	v7 =	vld.idx.msk [tilespmem:v8+s13+$0x0], $0xffff  }
0x45: {  	s15 =	sadd.s32 $0x11000, s12;
	v8 =	vld [tilespmem:s11+$0x0];
	[tilespmem:s31+$0x100] =	vst v9;
	v9 =	vor.u32 $0x280, v6  }
0x46: {  	s26 =	sor.u32 s8, s15;
	[tilespmem:s0+$0x80] =	vst v10;
	v10 =	vld.idx.msk [tilespmem:v11+s13+$0x0], $0xffff;
	v11 =	vor.u32 $0x280, v5  }
0x47: {  	[tilespmem:s26+$0x0] =	vst v12;
	v12 =	vld.idx.msk [tilespmem:v14+s13+$0x0], $0xffff  }
0x48: {  	v13 =	vor.u32 $0x200, v1;
	v14 =	vld.idx.msk [tilespmem:v15+s13+$0x0], $0xffff  }
0x49: {  	v16 =	vor.u32 $0x180, v4;
	v15 =	vld.idx.msk [tilespmem:v2+s13+$0x0], $0xffff;
	[tilespmem:s6+$0x200] =	vst v7  }
0x4a: {  	[tilespmem:s3+$0x200] =	vst v3;
	v3 =	vshll.u32 v8, $0x3;
	v7 =	vor.u32 $0x100, v0;
	v9 =	vld.idx.msk [tilespmem:v9+s13+$0x0], $0xffff  }
0x4b: {  	v17 =	vor.u32 $0x80, v2;
	v8 =	vand.u32 $0x7F, v8;
	v3 =	vand.u32 $0xFFFFFC00, v3;
	[tilespmem:s31+$0x180] =	vst v10;
	v10 =	vld.idx.msk [tilespmem:v11+s13+$0x0], $0xffff  }
0x4c: {  	v3 =	vor.u32 v8, v3;
	v11 =	vld [tilespmem:s7+$0x0]  }
0x4d: {  	v8 =	vld.idx.msk [tilespmem:v13+s13+$0x0], $0xffff;
	[tilespmem:s0+$0x100] =	vst v12;
	v12 =	vor.u32 $0x300, v5  }
0x4e: {  	s30 =	sor.u32 s21, s15;
	[tilespmem:s26+$0x80] =	vst v14;
	v13 =	vor.u32 $0x300, v6;
	v14 =	vld.idx.msk [tilespmem:v16+s13+$0x0], $0xffff  }
0x4f: {  	[tilespmem:s30+$0x0] =	vst v15;
	v7 =	vld.idx.msk [tilespmem:v7+s13+$0x0], $0xffff  }
0x50: {  	s4 =	simm.s32 $0x80;
	v16 =	vor.u32 $0x200, v4;
	v15 =	vld.idx.msk [tilespmem:v17+s13+$0x0], $0xffff  }
0x51: {  	s12 =	sand.u32 $0x60, s4;
	v18 =	vor.u32 $0x180, v0;
	v17 =	vld.idx.msk [tilespmem:v3+s13+$0x0], $0xffff;
	[tilespmem:s3+$0x280] =	vst v10  }
0x52: {  	s21 =	sor.u32 $0x10, s12;
	s16 =	sand.u32 $0x780, s4;
	[tilespmem:s6+$0x280] =	vst v9;
	v9 =	vor.u32 $0x100, v2;
	v10 =	vld.idx.msk [tilespmem:v12+s13+$0x0], $0xffff  }
0x53: {  	s29 =	simm.s32 $0x300;
	s1 =	sand.u32 $0x3, s1;
	s3 =	sor.u32 s21, s16;
	v12 =	vor.u32 $0x80, v3;
	v13 =	vld.idx.msk [tilespmem:v13+s13+$0x0], $0xffff  }
0x54: {  	s17 =	sand.u32 $0x3C00, s29;
	s1 =	sshll.u32 s1, $0x5;
	v21 =	vor.u32 $0x380, v5;
	v19 =	vshll.u32 v11, $0x3;
	v20 =	vld [tilespmem:s3+$0x0];
	[tilespmem:s0+$0x180] =	vst v14  }
0x55: {  	s8 =	sadd.s32 $0x11000, s17;
	s17 =	sadd.s32 $0x0, s1;
	v6 =	vor.u32 $0x380, v6;
	v11 =	vand.u32 $0x7F, v11;
	v5 =	vand.u32 $0xFFFFFC00, v19;
	[tilespmem:s26+$0x100] =	vst v7;
	v7 =	vld.idx.msk [tilespmem:v16+s13+$0x0], $0xffff  }
0x56: {  	s15 =	sadd.s32 $0x10, s17;
	s11 =	sor.u32 s9, s8;
	v5 =	vor.u32 v11, v5;
	[tilespmem:s30+$0x80] =	vst v15;
	v16 =	vld.idx.msk [tilespmem:v18+s13+$0x0], $0xffff  }
0x57: {  	s18 =	sor.u32 $0x300, s15;
	v19 =	vor.u32 $0x280, v4;
	v14 =	vld.idx.msk [tilespmem:v9+s13+$0x0], $0xffff;
	[tilespmem:s11+$0x0] =	vst v17  }
0x58: {  	s19 =	sor.u32 $0x300, s17;
	v17 =	vor.u32 $0x280, v1;
	v15 =	vld.idx.msk [tilespmem:v12+s13+$0x0], $0xffff;
	[tilespmem:s18+$0x11000] =	vst v10  }
0x59: {  	v18 =	vor.u32 $0x200, v0;
	[tilespmem:s19+$0x11000] =	vst v13;
	v12 =	vld.idx.msk [tilespmem:v21+s13+$0x0], $0xffff  }
0x5a: {  	s20 =	simm.s32 $0x1;
	[tilespmem:s31+$0x200] =	vst v8;
	v11 =	vld.idx.msk [tilespmem:v6+s13+$0x0], $0xffff  }
0x5b: {  	s10 =	simm.s32 $0xA0;
	s1 =	sand.u32 $0x3, s20;
	s7 =	simm.s32 $0x2;
	v8 =	vor.u32 $0x80, v5;
	v9 =	vshll.u32 v20, $0x3;
	v10 =	vor.u32 $0x180, v2;
	v13 =	vld.idx.msk [tilespmem:v5+s13+$0x0], $0xffff;
	[tilespmem:s0+$0x200] =	vst v7  }
0x5c: {  	s6 =	simm.s32 $0x8;
	s16 =	simm.s32 $0xA0;
	s3 =	simm.s32 $0x400;
	v6 =	vand.u32 $0x7F, v20;
	v7 =	vand.u32 $0xFFFFFC00, v9;
	v9 =	vor.u32 $0x100, v3;
	[tilespmem:s26+$0x180] =	vst v16;
	v16 =	vld.idx.msk [tilespmem:v19+s13+$0x0], $0xffff  }
.LBB2_3:
0x5d: {  	s19 =	sand.u32 $0x60, s10;
	s6 =	sadd.s32 $0x2, s6;
	[tilespmem:s30+$0x100] =	vst v14;
	v14 =	vld.idx.msk [tilespmem:v17+s13+$0x0], $0xffff;
	s17 =	sor.u32 $0x380, s17  }
0x5e: {  	s20 =	sand.u32 $0x780, s10;
	v6 =	vor.u32 v6, v7;
	s15 =	sor.u32 $0x380, s15;
	s18 =	sor.u32 $0x10, s19;
	[tilespmem:s11+$0x80] =	vst v15;
	v7 =	vld.idx.msk [tilespmem:v18+s13+$0x0], $0xffff  }
0x5f: {  	s9 =	sand.u32 $0x3, s7;
	v17 =	vor.u32 $0x300, v4;
	p1 =	slt.u32 s6, $0x7E;
	v18 =	vor.u32 $0x300, v1;
	s20 =	sor.u32 s18, s20;
	v15 =	vld [tilespmem:s4+$0x0];
	[tilespmem:s15+$0x11000] =	vst v12  }
0x60: {  	s8 =	sor.u32 s2, s8;
	s2 =	smov.u32 s12;
	s12 =	smov.u32 s19;
	v10 =	vld.idx.msk [tilespmem:v10+s13+$0x0], $0xffff;
	[tilespmem:s17+$0x11000] =	vst v11  }
0x61: {  	s4 =	smov.u32 s16;
	[tilespmem:s8+$0x0] =	vst v13;
	v9 =	vld.idx.msk [tilespmem:v9+s13+$0x0], $0xffff  }
0x62: {  	v11 =	vor.u32 $0x200, v2;
	v8 =	vld.idx.msk [tilespmem:v8+s13+$0x0], $0xffff;
	[tilespmem:s0+$0x280] =	vst v16;
	s0 =	smov.u32 s30;
	s30 =	smov.u32 s8  }
0x63: {  	v13 =	vor.u32 $0x180, v3;
	v12 =	vld.idx.msk [tilespmem:v6+s13+$0x0], $0xffff;
	[tilespmem:s31+$0x280] =	vst v14;
	s31 =	smov.u32 s26;
	s26 =	smov.u32 s11  }
0x64: {  	v16 =	vor.u32 $0x100, v5;
	v14 =	vshll.u32 v15, $0x3;
	[tilespmem:s31+$0x200] =	vst v7;
	v7 =	vld.idx.msk [tilespmem:v18+s13+$0x0], $0xffff  }
0x65: {  	v18 =	vor.u32 $0x80, v6;
	v14 =	vand.u32 $0xFFFFFC00, v14;
	v19 =	vld.idx.msk [tilespmem:v17+s13+$0x0], $0xffff  }
0x66: {  	v21 =	vor.u32 $0x380, v1;
	v1 =	vmovc v0;
	v0 =	vmovc v3;
	v3 =	vmov v6;
	s8 =	sand.u32 $0x3C00, s3;
	s11 =	sshll.u32 s1, $0x5;
	s1 =	smov.u32 s9;
	v20 =	vld [tilespmem:s20+$0x0];
	[tilespmem:s0+$0x180] =	vst v10;
	v10 =	vor.u32 $0x380, v4  }
0x67: {  	s8 =	sadd.s32 $0x11000, s8;
	v6 =	vand.u32 $0x7F, v15;
	s17 =	sadd.s32 s11, s28;
	s28 =	smov.u32 s25;
	v4 =	vmov v2;
	v2 =	vmov v5;
	[tilespmem:s26+$0x100] =	vst v9;
	v9 =	vld.idx.msk [tilespmem:v11+s13+$0x0], $0xffff  }
0x68: {  	s11 =	sor.u32 s21, s8;
	s21 =	smov.u32 s18;
	s15 =	sadd.s32 $0x10, s17;
	v5 =	vor.u32 v6, v14;
	[tilespmem:s30+$0x80] =	vst v8;
	v22 =	vld.idx.msk [tilespmem:v13+s13+$0x0], $0xffff  }
0x69: {  	s25 =	smov.u32 s29;
	s9 =	sor.u32 $0x300, s17;
	s18 =	sor.u32 $0x300, s15;
	v8 =	vor.u32 $0x80, v5;
	[tilespmem:s11+$0x0] =	vst v12;
	v14 =	vld.idx.msk [tilespmem:v16+s13+$0x0], $0xffff;
	v16 =	vor.u32 $0x280, v4  }
.Ltmp0:
0x6a: {  	s29 =	smov.u32 s3;
	v17 =	vor.u32 $0x280, v1;
	v15 =	vld.idx.msk [tilespmem:v18+s13+$0x0], $0xffff;
	[tilespmem:s18+$0x11000] =	vst v7;
	(pc) =	sbr.rel @p1 .LBB2_3-.Ltmp0, $4  }
0x6b: {  	v18 =	vor.u32 $0x200, v0;
	v6 =	vand.u32 $0x7F, v20;
	v7 =	vshll.u32 v20, $0x3;
	[tilespmem:s9+$0x11000] =	vst v19;
	v12 =	vld.idx.msk [tilespmem:v21+s13+$0x0], $0xffff  }
0x6c: {  	v7 =	vand.u32 $0xFFFFFC00, v7;
	v11 =	vld.idx.msk [tilespmem:v10+s13+$0x0], $0xffff  }
0x6d: {  	s7 =	sadd.s32 $0x1, s7;
	v10 =	vor.u32 $0x180, v2;
	v13 =	vld.idx.msk [tilespmem:v5+s13+$0x0], $0xffff;
	[tilespmem:s0+$0x200] =	vst v9  }
0x6e: {  	s10 =	sadd.s32 $0x20, s10;
	s16 =	sadd.s32 $0x20, s16;
	s3 =	sadd.s32 $0x100, s3;
	v9 =	vor.u32 $0x100, v3;
	[tilespmem:s26+$0x180] =	vst v22;
	v16 =	vld.idx.msk [tilespmem:v16+s13+$0x0], $0xffff  }
0x6f: {  	v19 =	vld [tilespmem:s4+$0x0];
	_ =	sdelay $0x3  }
0x70: {  	v7 =	vor.u32 v6, v7  }
0x71: {  	v20 =	vshll.u32 v19, $0x3  }
0x72: {  	v19 =	vand.u32 $0x7F, v19;
	v6 =	vand.u32 $0xFFFFFC00, v20  }
0x73: {  	v6 =	vor.u32 v19, v6  }
0x74: {  	[tilespmem:s30+$0x100] =	vst v14  }
0x75: {  	[tilespmem:s11+$0x80] =	vst v15;
	s19 =	sor.u32 $0x380, s15;
	v14 =	vld.idx.msk [tilespmem:v7+s13+$0x0], $0xffff  }
0x76: {  	s9 =	sor.u32 $0x380, s17;
	v17 =	vld.idx.msk [tilespmem:v17+s13+$0x0], $0xffff;
	v15 =	vor.u32 $0x80, v7;
	[tilespmem:s19+$0x11000] =	vst v12  }
0x77: {  	s20 =	sand.u32 $0x3C00, s3;
	s6 =	sor.u32 s2, s8;
	[tilespmem:s9+$0x11000] =	vst v11;
	v11 =	vld.idx.msk [tilespmem:v18+s13+$0x0], $0xffff  }
0x78: {  	s10 =	sadd.s32 $0x11000, s20;
	[tilespmem:s6+$0x0] =	vst v13;
	v13 =	vor.u32 $0x300, v1;
	v19 =	vld.idx.msk [tilespmem:v6+s13+$0x0], $0xffff  }
0x79: {  	s4 =	sor.u32 s21, s10;
	v8 =	vld.idx.msk [tilespmem:v8+s13+$0x0], $0xffff;
	[tilespmem:s0+$0x280] =	vst v16;
	v12 =	vor.u32 $0x80, v6  }
0x7a: {  	v10 =	vld.idx.msk [tilespmem:v10+s13+$0x0], $0xffff;
	[tilespmem:s4+$0x0] =	vst v14;
	v14 =	vor.u32 $0x100, v5  }
0x7b: {  	[tilespmem:s31+$0x280] =	vst v17;
	v15 =	vld.idx.msk [tilespmem:v15+s13+$0x0], $0xffff  }
0x7c: {  	v9 =	vld.idx.msk [tilespmem:v9+s13+$0x0], $0xffff;
	s2 =	sor.u32 s12, s10;
	[tilespmem:s26+$0x200] =	vst v11;
	v11 =	vor.u32 $0x200, v2  }
0x7d: {  	v16 =	vor.u32 $0x100, v7;
	v13 =	vld.idx.msk [tilespmem:v13+s13+$0x0], $0xffff;
	[tilespmem:s2+$0x0] =	vst v19  }
0x7e: {  	s12 =	sshll.u32 s1, $0x5;
	[tilespmem:s6+$0x80] =	vst v8;
	v8 =	vor.u32 $0x180, v3;
	v12 =	vld.idx.msk [tilespmem:v12+s13+$0x0], $0xffff  }
0x7f: {  	s0 =	sadd.s32 s12, s28;
	[tilespmem:s30+$0x180] =	vst v10;
	v17 =	vor.u32 $0x100, v6;
	v14 =	vld.idx.msk [tilespmem:v14+s13+$0x0], $0xffff  }
0x80: {  	s15 =	sadd.s32 $0x10, s0;
	[tilespmem:s4+$0x80] =	vst v15;
	v15 =	vor.u32 $0x180, v5  }
0x81: {  	v18 =	vor.u32 $0x300, v4;
	[tilespmem:s11+$0x100] =	vst v9;
	s16 =	sor.u32 $0x300, s15;
	v11 =	vld.idx.msk [tilespmem:v11+s13+$0x0], $0xffff  }
0x82: {  	v1 =	vor.u32 $0x380, v1;
	[tilespmem:s16+$0x11000] =	vst v13;
	v16 =	vld.idx.msk [tilespmem:v16+s13+$0x0], $0xffff  }
0x83: {  	v10 =	vor.u32 $0x180, v7;
	v8 =	vld.idx.msk [tilespmem:v8+s13+$0x0], $0xffff;
	[tilespmem:s2+$0x80] =	vst v12  }
0x84: {  	v13 =	vor.u32 $0x200, v3;
	[tilespmem:s6+$0x100] =	vst v14;
	v12 =	vld.idx.msk [tilespmem:v17+s13+$0x0], $0xffff  }
0x85: {  	v9 =	vor.u32 $0x180, v6;
	v14 =	vld.idx.msk [tilespmem:v15+s13+$0x0], $0xffff  }
0x86: {  	[tilespmem:s30+$0x200] =	vst v11;
	v15 =	vor.u32 $0x200, v5;
	v17 =	vld.idx.msk [tilespmem:v18+s13+$0x0], $0xffff  }
0x87: {  	v4 =	vor.u32 $0x380, v4;
	v1 =	vld.idx.msk [tilespmem:v1+s13+$0x0], $0xffff;
	[tilespmem:s4+$0x100] =	vst v16  }
0x88: {  	[tilespmem:s11+$0x180] =	vst v8;
	v10 =	vld.idx.msk [tilespmem:v10+s13+$0x0], $0xffff  }
0x89: {  	v8 =	vor.u32 $0x280, v2;
	v13 =	vld.idx.msk [tilespmem:v13+s13+$0x0], $0xffff;
	[tilespmem:s2+$0x100] =	vst v12  }
0x8a: {  	s17 =	sor.u32 $0x300, s0;
	[tilespmem:s6+$0x180] =	vst v14;
	v12 =	vor.u32 $0x200, v7;
	v9 =	vld.idx.msk [tilespmem:v9+s13+$0x0], $0xffff  }
0x8b: {  	s1 =	sor.u32 $0x380, s15;
	v11 =	vor.u32 $0x200, v6;
	v14 =	vld.idx.msk [tilespmem:v15+s13+$0x0], $0xffff;
	[tilespmem:s17+$0x11000] =	vst v17  }
0x8c: {  	[tilespmem:s1+$0x11000] =	vst v1;
	v15 =	vor.u32 $0x280, v3;
	v4 =	vld.idx.msk [tilespmem:v4+s13+$0x0], $0xffff  }
0x8d: {  	[tilespmem:s4+$0x180] =	vst v10;
	v10 =	vor.u32 $0x280, v5  }
0x8e: {  	v16 =	vor.u32 $0x280, v0;
	v8 =	vld.idx.msk [tilespmem:v8+s13+$0x0], $0xffff;
	[tilespmem:s11+$0x200] =	vst v13  }
0x8f: {  	v13 =	vor.u32 $0x300, v2;
	v12 =	vld.idx.msk [tilespmem:v12+s13+$0x0], $0xffff;
	[tilespmem:s2+$0x180] =	vst v9  }
0x90: {  	s0 =	sor.u32 $0x380, s0;
	[tilespmem:s6+$0x200] =	vst v14;
	v9 =	vor.u32 $0x280, v7;
	v1 =	vld.idx.msk [tilespmem:v11+s13+$0x0], $0xffff  }
0x91: {  	v14 =	vld.idx.msk [tilespmem:v15+s13+$0x0], $0xffff;
	[tilespmem:s0+$0x11000] =	vst v4;
	v4 =	vor.u32 $0x280, v6  }
0x92: {  	v15 =	vor.u32 $0x300, v3;
	v10 =	vld.idx.msk [tilespmem:v10+s13+$0x0], $0xffff  }
0x93: {  	[tilespmem:s30+$0x280] =	vst v8;
	v11 =	vld.idx.msk [tilespmem:v16+s13+$0x0], $0xffff  }
0x94: {  	v13 =	vld.idx.msk [tilespmem:v13+s13+$0x0], $0xffff;
	v16 =	vor.u32 $0x300, v0;
	[tilespmem:s4+$0x200] =	vst v12  }
0x95: {  	s18 =	sand.u32 $0x3, s7;
	v12 =	vor.u32 $0x300, v5;
	[tilespmem:s2+$0x200] =	vst v1;
	v1 =	vld.idx.msk [tilespmem:v9+s13+$0x0], $0xffff  }
0x96: {  	s19 =	sadd.s32 $0x1, s7;
	s0 =	sshll.u32 s18, $0x5;
	[tilespmem:s11+$0x280] =	vst v14;
	v9 =	vor.u32 $0x300, v7;
	v4 =	vld.idx.msk [tilespmem:v4+s13+$0x0], $0xffff  }
0x97: {  	s7 =	sand.u32 $0x3, s19;
	v2 =	vor.u32 $0x380, v2;
	s0 =	sadd.s32 s0, s25;
	[tilespmem:s6+$0x280] =	vst v10;
	v10 =	vld.idx.msk [tilespmem:v15+s13+$0x0], $0xffff  }
0x98: {  	s7 =	sshll.u32 s7, $0x5;
	v3 =	vor.u32 $0x380, v3;
	s25 =	sor.u32 $0x300, s0;
	[tilespmem:s26+$0x280] =	vst v11  }
0x99: {  	s7 =	sadd.s32 s7, s29;
	[tilespmem:s25+$0x11000] =	vst v13;
	v11 =	vor.u32 $0x300, v6;
	v8 =	vld.idx.msk [tilespmem:v16+s13+$0x0], $0xffff  }
0x9a: {  	s1 =	sadd.s32 $0x1, s19;
	v0 =	vor.u32 $0x380, v0;
	s26 =	sadd.s32 $0x10, s7;
	v12 =	vld.idx.msk [tilespmem:v12+s13+$0x0], $0xffff;
	[tilespmem:s4+$0x280] =	vst v1  }
0x9b: {  	s1 =	sand.u32 $0x3, s1;
	s29 =	sor.u32 $0x300, s26;
	v1 =	vor.u32 $0x380, v5;
	[tilespmem:s2+$0x280] =	vst v4;
	v4 =	vld.idx.msk [tilespmem:v9+s13+$0x0], $0xffff  }
0x9c: {  	s1 =	sshll.u32 s1, $0x5;
	s20 =	sadd.s32 $0x10, s0;
	v2 =	vld.idx.msk [tilespmem:v2+s13+$0x0], $0xffff;
	v7 =	vor.u32 $0x380, v7;
	[tilespmem:s29+$0x11000] =	vst v10  }
0x9d: {  	s1 =	sadd.s32 s1, s3;
	s21 =	sor.u32 $0x300, s20;
	v3 =	vld.idx.msk [tilespmem:v3+s13+$0x0], $0xffff  }
0x9e: {  	s31 =	sadd.s32 $0x10, s1;
	s30 =	sor.u32 $0x300, s7;
	[tilespmem:s21+$0x11000] =	vst v8;
	v5 =	vld.idx.msk [tilespmem:v11+s13+$0x0], $0xffff  }
0x9f: {  	s8 =	sor.u32 $0x300, s31;
	v6 =	vor.u32 $0x380, v6;
	v0 =	vld.idx.msk [tilespmem:v0+s13+$0x0], $0xffff;
	[tilespmem:s30+$0x11000] =	vst v12  }
0xa0: {  	s0 =	sor.u32 $0x380, s0;
	v1 =	vld.idx.msk [tilespmem:v1+s13+$0x0], $0xffff;
	[tilespmem:s8+$0x11000] =	vst v4  }
0xa1: {  	s11 =	sor.u32 $0x380, s26;
	[tilespmem:s0+$0x11000] =	vst v2;
	v4 =	vld.idx.msk [tilespmem:v7+s13+$0x0], $0xffff  }
0xa2: {  	s9 =	sor.u32 $0x300, s1;
	[tilespmem:s11+$0x11000] =	vst v3  }
0xa3: {  	s10 =	sor.u32 $0x380, s20;
	[tilespmem:s9+$0x11000] =	vst v5  }
0xa4: {  	s12 =	sor.u32 $0x380, s7;
	[tilespmem:s10+$0x11000] =	vst v0;
	v0 =	vld.idx.msk [tilespmem:v6+s13+$0x0], $0xffff  }
0xa5: {  	s15 =	sor.u32 $0x380, s31;
	[tilespmem:s12+$0x11000] =	vst v1  }
0xa6: {  	[tilespmem:s15+$0x11000] =	vst v4  }
0xa7: {  	s16 =	sshll.u32 s22, $0xD;
	s0 =	rddreg [dreg:$0x4]  }
0xa8: {  	s1 =	sor.u32 $0x380, s1;
	s17 =	rddreg [dreg:$0x2];
	s25 =	sadd.s32 s0, s16  }
0xa9: {  	s18 =	simm.s32 $0x11000;
	[tilespmem:s1+$0x11000] =	vst v0;
	s0 =	sadd.s32 s17, s25;
	s17 =	simm.s32 $0x0  }
0xaa: {  	[hbm4b:s0+s17] =	stream.linear.scatter [tilespmem:s18], [sflag:$0x3], $0x4000, $0x38;
	[tilespmem:$0x19000] =	vst v63  }
0xab: {  	s0 =	simm.s32 @!p0 $0x4  }
0xac: {  	_ =	swait.ge @!p0 [sflag:s0], $0x4000  }
0xad: {  	s19 =	simm.s32 $0x0;
	[sflag:s0] =	ssyncset.done @!p0 $0x0  }
0xae: {  	s20 =	sand.u32 $0x7E0, s19;
	[sflag:s0] =	ssyncadd.s32 @!p0 $0xFFFFC000  }
0xaf: {  	v0 =	vld [tilespmem:s20+$0x800];
	_ =	sdelay $0x4  }
0xb0: {  	v1 =	vshll.u32 v0, $0x3  }
0xb1: {  	v0 =	vand.u32 $0x7F, v0;
	v1 =	vand.u32 $0xFFFFFC00, v1  }
0xb2: {  	s21 =	simm.s32 $0x810;
	v3 =	vor.u32 v0, v1  }
0xb3: {  	v0 =	vld [tilespmem:s21+$0x0];
	_ =	sdelay $0x3  }
0xb4: {  	v1 =	vld.idx.msk [tilespmem:v3+s13+$0x0], $0xffff  }
0xb5: {  	s26 =	simm.s32 $0x20;
	v4 =	vor.u32 $0x80, v3;
	v2 =	vshll.u32 v0, $0x3  }
0xb6: {  	s29 =	sand.u32 $0x7E0, s26;
	v0 =	vand.u32 $0x7F, v0;
	v2 =	vand.u32 $0xFFFFFC00, v2  }
0xb7: {  	s31 =	sand.u32 $0x3C00, s19;
	s30 =	sand.u32 $0x60, s19;
	v7 =	vor.u32 v0, v2;
	v0 =	vld [tilespmem:s29+$0x800]  }
0xb8: {  	s4 =	sor.u32 s30, s31  }
0xb9: {  	[tilespmem:s4+$0x15000] =	vst v1  }
0xba: {  	v1 =	vld.idx.msk [tilespmem:v4+s13+$0x0], $0xffff  }
0xbb: {  	v2 =	vor.u32 $0x100, v3  }
0xbc: {  	v4 =	vld.idx.msk [tilespmem:v7+s13+$0x0], $0xffff;
	v6 =	vshll.u32 v0, $0x3  }
0xbd: {  	s6 =	simm.s32 $0x830;
	v5 =	vor.u32 $0x80, v7;
	v0 =	vand.u32 $0x7F, v0;
	v6 =	vand.u32 $0xFFFFFC00, v6  }
0xbe: {  	s1 =	sadd.s32 $0x15000, s4;
	v8 =	vld [tilespmem:s6+$0x0];
	v6 =	vor.u32 v0, v6  }
0xbf: {  	[tilespmem:s1+$0x80] =	vst v1  }
0xc0: {  	v0 =	vld.idx.msk [tilespmem:v2+s13+$0x0], $0xffff  }
0xc1: {  	v1 =	vor.u32 $0x180, v3;
	[tilespmem:s1+$0x10] =	vst v4  }
0xc2: {  	v2 =	vld.idx.msk [tilespmem:v5+s13+$0x0], $0xffff  }
0xc3: {  	v4 =	vor.u32 $0x100, v7;
	v5 =	vshll.u32 v8, $0x3;
	v9 =	vld.idx.msk [tilespmem:v6+s13+$0x0], $0xffff  }
0xc4: {  	s10 =	simm.s32 $0x850;
	v10 =	vor.u32 $0x80, v6;
	v8 =	vand.u32 $0x7F, v8;
	v5 =	vand.u32 $0xFFFFFC00, v5  }
0xc5: {  	s7 =	simm.s32 $0x40;
	s8 =	simm.s32 $0x100;
	[tilespmem:s1+$0x100] =	vst v0;
	v0 =	vor.u32 v8, v5;
	v8 =	vld [tilespmem:s10+$0x0]  }
0xc6: {  	s9 =	sand.u32 $0x7E0, s7;
	s3 =	sand.u32 $0x3C00, s8;
	s0 =	sand.u32 $0x60, s26;
	v1 =	vld.idx.msk [tilespmem:v1+s13+$0x0], $0xffff  }
0xc7: {  	s0 =	sor.u32 s0, s3;
	v5 =	vor.u32 $0x200, v3;
	[tilespmem:s1+$0x90] =	vst v2;
	v2 =	vld [tilespmem:s9+$0x800]  }
0xc8: {  	v4 =	vld.idx.msk [tilespmem:v4+s13+$0x0], $0xffff;
	[tilespmem:s0+$0x15000] =	vst v9  }
0xc9: {  	v9 =	vor.u32 $0x180, v7;
	v10 =	vld.idx.msk [tilespmem:v10+s13+$0x0], $0xffff  }
0xca: {  	v12 =	vor.u32 $0x100, v6;
	v11 =	vld.idx.msk [tilespmem:v0+s13+$0x0], $0xffff  }
0xcb: {  	v13 =	vor.u32 $0x80, v0;
	[tilespmem:s1+$0x180] =	vst v1  }
0xcc: {  	s11 =	simm.s32 $0x870;
	v1 =	vshll.u32 v2, $0x3;
	v5 =	vld.idx.msk [tilespmem:v5+s13+$0x0], $0xffff  }
0xcd: {  	v14 =	vld [tilespmem:s11+$0x0];
	s0 =	sadd.s32 $0x15000, s0;
	v2 =	vand.u32 $0x7F, v2;
	[tilespmem:s1+$0x110] =	vst v4;
	v1 =	vand.u32 $0xFFFFFC00, v1;
	v4 =	vor.u32 $0x280, v3  }
0xce: {  	v9 =	vld.idx.msk [tilespmem:v9+s13+$0x0], $0xffff;
	v1 =	vor.u32 v2, v1;
	v2 =	vshll.u32 v8, $0x3;
	[tilespmem:s0+$0x80] =	vst v10  }
0xcf: {  	s12 =	simm.s32 $0x60;
	v8 =	vand.u32 $0x7F, v8;
	v10 =	vor.u32 $0x200, v7;
	v2 =	vand.u32 $0xFFFFFC00, v2;
	v12 =	vld.idx.msk [tilespmem:v12+s13+$0x0], $0xffff;
	[tilespmem:s0+$0x10] =	vst v11  }
0xd0: {  	s15 =	sand.u32 $0x7E0, s12;
	v2 =	vor.u32 v8, v2;
	v11 =	vor.u32 $0x180, v6;
	v8 =	vld.idx.msk [tilespmem:v13+s13+$0x0], $0xffff  }
0xd1: {  	v17 =	vld [tilespmem:s15+$0x800];
	[tilespmem:s1+$0x200] =	vst v5  }
0xd2: {  	v5 =	vor.u32 $0x100, v0;
	v4 =	vld.idx.msk [tilespmem:v4+s13+$0x0], $0xffff  }
0xd3: {  	v13 =	vor.u32 $0x300, v3;
	[tilespmem:s1+$0x190] =	vst v9;
	v9 =	vld.idx.msk [tilespmem:v1+s13+$0x0], $0xffff  }
0xd4: {  	v15 =	vor.u32 $0x80, v1;
	v10 =	vld.idx.msk [tilespmem:v10+s13+$0x0], $0xffff;
	[tilespmem:s0+$0x100] =	vst v12  }
0xd5: {  	s26 =	simm.s32 $0x200;
	v11 =	vld.idx.msk [tilespmem:v11+s13+$0x0], $0xffff;
	[tilespmem:s0+$0x90] =	vst v8;
	v8 =	vor.u32 $0x280, v7  }
0xd6: {  	s16 =	sand.u32 $0x3C00, s26;
	s4 =	sand.u32 $0x60, s7;
	v12 =	vor.u32 $0x200, v6;
	v16 =	vld.idx.msk [tilespmem:v2+s13+$0x0], $0xffff  }
0xd7: {  	s4 =	sor.u32 s4, s16;
	v5 =	vld.idx.msk [tilespmem:v5+s13+$0x0], $0xffff;
	[tilespmem:s1+$0x280] =	vst v4  }
0xd8: {  	v4 =	vor.u32 $0x180, v0;
	[tilespmem:s4+$0x15000] =	vst v9;
	v9 =	vld.idx.msk [tilespmem:v13+s13+$0x0], $0xffff  }
0xd9: {  	s2 =	sand.u32 $0x3, s19;
	v13 =	vld.idx.msk [tilespmem:v15+s13+$0x0], $0xffff;
	[tilespmem:s1+$0x210] =	vst v10;
	v10 =	vor.u32 $0x380, v3  }
0xda: {  	s2 =	sshll.u32 s2, $0x5;
	v15 =	vor.u32 $0x100, v1;
	[tilespmem:s0+$0x180] =	vst v11;
	v8 =	vld.idx.msk [tilespmem:v8+s13+$0x0], $0xffff  }
0xdb: {  	s2 =	sadd.s32 $0x0, s2;
	s18 =	simm.s32 $0x890;
	v11 =	vor.u32 $0x80, v2;
	v12 =	vld.idx.msk [tilespmem:v12+s13+$0x0], $0xffff  }
0xdc: {  	s19 =	sor.u32 $0x300, s2;
	v19 =	vor.u32 $0x300, v7;
	v3 =	vshll.u32 v17, $0x3;
	[tilespmem:s0+$0x110] =	vst v5;
	v5 =	vld [tilespmem:s18+$0x0]  }
0xdd: {  	s28 =	sadd.s32 $0x15000, s4;
	v3 =	vand.u32 $0xFFFFFC00, v3;
	v18 =	vld.idx.msk [tilespmem:v4+s13+$0x0], $0xffff;
	v4 =	vand.u32 $0x7F, v17;
	v17 =	vor.u32 $0x280, v6;
	[tilespmem:s19+$0x15000] =	vst v9  }
0xde: {  	v3 =	vor.u32 v4, v3;
	v4 =	vshll.u32 v14, $0x3;
	[tilespmem:s28+$0x80] =	vst v13;
	v13 =	vld.idx.msk [tilespmem:v10+s13+$0x0], $0xffff  }
0xdf: {  	[tilespmem:s28+$0x10] =	vst v16;
	v9 =	vand.u32 $0x7F, v14;
	v14 =	vor.u32 $0x200, v0;
	v4 =	vand.u32 $0xFFFFFC00, v4;
	v10 =	vld.idx.msk [tilespmem:v15+s13+$0x0], $0xffff  }
0xe0: {  	v4 =	vor.u32 v9, v4;
	v9 =	vld.idx.msk [tilespmem:v11+s13+$0x0], $0xffff;
	[tilespmem:s1+$0x290] =	vst v8  }
0xe1: {  	[tilespmem:s0+$0x200] =	vst v12;
	v12 =	vld.idx.msk [tilespmem:v19+s13+$0x0], $0xffff  }
0xe2: {  	v11 =	vor.u32 $0x180, v1;
	v16 =	vld.idx.msk [tilespmem:v17+s13+$0x0], $0xffff  }
0xe3: {  	s4 =	simm.s32 $0x80;
	v15 =	vor.u32 $0x100, v2;
	[tilespmem:s0+$0x190] =	vst v18;
	v17 =	vld.idx.msk [tilespmem:v3+s13+$0x0], $0xffff  }
0xe4: {  	v7 =	vor.u32 $0x380, v7;
	s20 =	sand.u32 $0x7E0, s4;
	v19 =	vld.idx.msk [tilespmem:v14+s13+$0x0], $0xffff  }
0xe5: {  	v18 =	vor.u32 $0x300, v6;
	v14 =	vld [tilespmem:s20+$0x800]  }
0xe6: {  	s29 =	sadd.s32 $0x10, s2;
	v20 =	vor.u32 $0x80, v3;
	[tilespmem:s28+$0x100] =	vst v10;
	v8 =	vld.idx.msk [tilespmem:v4+s13+$0x0], $0xffff  }
0xe7: {  	s30 =	sor.u32 $0x300, s29;
	s1 =	simm.s32 $0x300;
	v11 =	vld.idx.msk [tilespmem:v11+s13+$0x0], $0xffff;
	[tilespmem:s28+$0x90] =	vst v9;
	v9 =	vor.u32 $0x280, v0  }
0xe8: {  	s3 =	sand.u32 $0x60, s12;
	v22 =	vor.u32 $0x200, v1;
	s21 =	sand.u32 $0x3C00, s1;
	v21 =	vld.idx.msk [tilespmem:v15+s13+$0x0], $0xffff;
	[tilespmem:s30+$0x15000] =	vst v12  }
0xe9: {  	v23 =	vor.u32 $0x180, v2;
	s16 =	sor.u32 s3, s21;
	[tilespmem:s0+$0x280] =	vst v16;
	v7 =	vld.idx.msk [tilespmem:v7+s13+$0x0], $0xffff  }
0xea: {  	s3 =	simm.s32 $0x1;
	[tilespmem:s16+$0x15000] =	vst v17;
	v16 =	vld.idx.msk [tilespmem:v18+s13+$0x0], $0xffff  }
0xeb: {  	s6 =	simm.s32 $0x8;
	v6 =	vor.u32 $0x380, v6;
	s31 =	sand.u32 $0x3, s3;
	[tilespmem:s0+$0x210] =	vst v19;
	v10 =	vld.idx.msk [tilespmem:v20+s13+$0x0], $0xffff  }
0xec: {  	s12 =	simm.s32 $0x80;
	s2 =	sor.u32 $0x380, s2;
	s8 =	sshll.u32 s31, $0x5;
	v15 =	vor.u32 $0x100, v3;
	v9 =	vld.idx.msk [tilespmem:v9+s13+$0x0], $0xffff;
	[tilespmem:s28+$0x180] =	vst v11  }
0xed: {  	s7 =	sor.u32 $0x380, s29;
	s10 =	simm.s32 $0x8B0;
	s8 =	sadd.s32 $0x100, s8;
	v17 =	vor.u32 $0x80, v4;
	v11 =	vld.idx.msk [tilespmem:v22+s13+$0x0], $0xffff;
	[tilespmem:s28+$0x110] =	vst v21  }
0xee: {  	[tilespmem:s2+$0x15000] =	vst v13;
	s2 =	simm.s32 $0x300;
	s15 =	sor.u32 $0x300, s8;
	v12 =	vor.u32 $0x300, v0;
	s11 =	sadd.s32 $0x10, s8;
	v18 =	vshll.u32 v14, $0x3;
	v13 =	vld.idx.msk [tilespmem:v23+s13+$0x0], $0xffff  }
.LBB2_5:
0xef: {  	v19 =	vld [tilespmem:s10+$0x0];
	v14 =	vand.u32 $0x7F, v14;
	v18 =	vand.u32 $0xFFFFFC00, v18;
	s9 =	sadd.s32 $0x15000, s16;
	v20 =	vor.u32 $0x280, v1;
	[tilespmem:s15+$0x15000] =	vst v16;
	s15 =	sor.u32 $0x300, s11  }
0xf0: {  	s11 =	sor.u32 $0x380, s11;
	v18 =	vor.u32 v14, v18;
	v14 =	vshll.u32 v5, $0x3;
	[tilespmem:s9+$0x80] =	vst v10;
	v6 =	vld.idx.msk [tilespmem:v6+s13+$0x0], $0xffff  }
0xf1: {  	v5 =	vand.u32 $0x7F, v5;
	v10 =	vand.u32 $0xFFFFFC00, v14;
	v14 =	vld.idx.msk [tilespmem:v15+s13+$0x0], $0xffff;
	[tilespmem:s9+$0x10] =	vst v8;
	v8 =	vor.u32 $0x200, v2  }
0xf2: {  	v10 =	vor.u32 v5, v10;
	v15 =	vld.idx.msk [tilespmem:v17+s13+$0x0], $0xffff;
	[tilespmem:s0+$0x290] =	vst v9;
	s0 =	smov.u32 s28;
	s28 =	smov.u32 s9  }
0xf3: {  	v9 =	vor.u32 $0x180, v3;
	[tilespmem:s0+$0x200] =	vst v11;
	v11 =	vld.idx.msk [tilespmem:v12+s13+$0x0], $0xffff  }
0xf4: {  	v12 =	vor.u32 $0x100, v4;
	v16 =	vld.idx.msk [tilespmem:v20+s13+$0x0], $0xffff;
	[tilespmem:s0+$0x190] =	vst v13;
	v5 =	vmov v19  }
0xf5: {  	s8 =	sor.u32 $0x380, s8;
	v13 =	vld.idx.msk [tilespmem:v18+s13+$0x0], $0xffff;
	[tilespmem:s7+$0x15000] =	vst v7;
	s7 =	smov.u32 s11  }
0xf6: {  	v7 =	vor.u32 $0x300, v1;
	v17 =	vld.idx.msk [tilespmem:v8+s13+$0x0], $0xffff;
	[tilespmem:s8+$0x15000] =	vst v6  }
0xf7: {  	v6 =	vor.u32 $0x80, v18;
	v8 =	vld.idx.msk [tilespmem:v10+s13+$0x0], $0xffff;
	[tilespmem:s28+$0x100] =	vst v14  }
0xf8: {  	s4 =	sadd.s32 $0x20, s4;
	s1 =	sadd.s32 $0x100, s1;
	v19 =	vld.idx.msk [tilespmem:v9+s13+$0x0], $0xffff;
	[tilespmem:s28+$0x90] =	vst v15;
	v9 =	vor.u32 $0x280, v2  }
0xf9: {  	s9 =	sand.u32 $0x60, s12;
	s11 =	sand.u32 $0x3C00, s1;
	s8 =	sand.u32 $0x7E0, s4;
	v12 =	vld.idx.msk [tilespmem:v12+s13+$0x0], $0xffff;
	[tilespmem:s15+$0x15000] =	vst v11;
	v11 =	vor.u32 $0x380, v0;
	v0 =	vmovc v2;
	v2 =	vmov v4;
	v4 =	vmov v10  }
0xfa: {  	s6 =	sadd.s32 $0x2, s6;
	s12 =	smov.u32 s4;
	v20 =	vor.u32 $0x200, v3;
	s16 =	sor.u32 s9, s11;
	v14 =	vld [tilespmem:s8+$0x800];
	[tilespmem:s0+$0x280] =	vst v16  }
0xfb: {  	p0 =	slt.u32 s6, $0x7E;
	[tilespmem:s16+$0x15000] =	vst v13;
	v13 =	vor.u32 $0x180, v2;
	v16 =	vld.idx.msk [tilespmem:v7+s13+$0x0], $0xffff  }
.Ltmp1:
0xfc: {  	s3 =	sadd.s32 $0x1, s3;
	v10 =	vld.idx.msk [tilespmem:v6+s13+$0x0], $0xffff;
	[tilespmem:s0+$0x210] =	vst v17;
	(pc) =	sbr.rel @p0 .LBB2_5-.Ltmp1, $4  }
0xfd: {  	s8 =	sand.u32 $0x3, s3;
	v6 =	vor.u32 $0x380, v1;
	v1 =	vmov v3;
	v3 =	vmov v18;
	v9 =	vld.idx.msk [tilespmem:v9+s13+$0x0], $0xffff  }
0xfe: {  	s8 =	sshll.u32 s8, $0x5;
	v15 =	vor.u32 $0x100, v3;
	[tilespmem:s28+$0x180] =	vst v19;
	v7 =	vld.idx.msk [tilespmem:v11+s13+$0x0], $0xffff  }
0xff: {  	v17 =	vor.u32 $0x80, v4;
	s8 =	sadd.s32 s8, s26;
	s26 =	smov.u32 s2;
	s2 =	smov.u32 s1;
	v11 =	vld.idx.msk [tilespmem:v20+s13+$0x0], $0xffff;
	[tilespmem:s28+$0x110] =	vst v12  }
0x100: {  	s10 =	sadd.s32 $0x20, s10;
	s15 =	sor.u32 $0x300, s8;
	s11 =	sadd.s32 $0x10, s8;
	v18 =	vshll.u32 v14, $0x3;
	v12 =	vor.u32 $0x300, v0;
	v13 =	vld.idx.msk [tilespmem:v13+s13+$0x0], $0xffff  }
0x101: {  	v14 =	vand.u32 $0x7F, v14;
	v18 =	vand.u32 $0xFFFFFC00, v18;
	v19 =	vshll.u32 v5, $0x3  }
0x102: {  	v5 =	vand.u32 $0x7F, v5;
	v14 =	vor.u32 v14, v18;
	v18 =	vand.u32 $0xFFFFFC00, v19  }
0x103: {  	v5 =	vor.u32 v5, v18;
	_ =	sdelay $0x3  }
0x104: {  	v18 =	vld.idx.msk [tilespmem:v14+s13+$0x0], $0xffff  }
0x105: {  	[tilespmem:s15+$0x15000] =	vst v16;
	s6 =	sadd.s32 $0x15000, s16;
	v19 =	vor.u32 $0x80, v14;
	v20 =	vld.idx.msk [tilespmem:v5+s13+$0x0], $0xffff  }
0x106: {  	s1 =	sadd.s32 $0x100, s1;
	[tilespmem:s6+$0x10] =	vst v8;
	v21 =	vor.u32 $0x80, v5  }
0x107: {  	s4 =	sand.u32 $0x60, s12;
	s9 =	sand.u32 $0x3C00, s1;
	[tilespmem:s6+$0x80] =	vst v10  }
0x108: {  	s4 =	sor.u32 s4, s9;
	v8 =	vld.idx.msk [tilespmem:v17+s13+$0x0], $0xffff;
	[tilespmem:s28+$0x200] =	vst v11  }
0x109: {  	v11 =	vld.idx.msk [tilespmem:v15+s13+$0x0], $0xffff;
	[tilespmem:s4+$0x15000] =	vst v18;
	s4 =	sadd.s32 $0x15000, s4  }
0x10a: {  	v16 =	vor.u32 $0x100, v4;
	v17 =	vld.idx.msk [tilespmem:v19+s13+$0x0], $0xffff;
	[tilespmem:s4+$0x10] =	vst v20  }
0x10b: {  	v10 =	vor.u32 $0x100, v14;
	v18 =	vld.idx.msk [tilespmem:v21+s13+$0x0], $0xffff  }
0x10c: {  	[tilespmem:s0+$0x290] =	vst v9;
	v9 =	vor.u32 $0x100, v5  }
0x10d: {  	[tilespmem:s6+$0x90] =	vst v8  }
0x10e: {  	v6 =	vld.idx.msk [tilespmem:v6+s13+$0x0], $0xffff;
	v8 =	vor.u32 $0x180, v3;
	[tilespmem:s6+$0x100] =	vst v11  }
0x10f: {  	v15 =	vld.idx.msk [tilespmem:v16+s13+$0x0], $0xffff;
	v11 =	vor.u32 $0x200, v2;
	[tilespmem:s4+$0x80] =	vst v17  }
0x110: {  	v16 =	vor.u32 $0x180, v4;
	v10 =	vld.idx.msk [tilespmem:v10+s13+$0x0], $0xffff;
	[tilespmem:s4+$0x90] =	vst v18  }
0x111: {  	[tilespmem:s28+$0x190] =	vst v13;
	v13 =	vor.u32 $0x180, v14;
	v9 =	vld.idx.msk [tilespmem:v9+s13+$0x0], $0xffff  }
0x112: {  	s18 =	sor.u32 $0x380, s8;
	[tilespmem:s7+$0x15000] =	vst v7;
	v12 =	vld.idx.msk [tilespmem:v12+s13+$0x0], $0xffff;
	v7 =	vor.u32 $0x180, v5  }
0x113: {  	[tilespmem:s18+$0x15000] =	vst v6;
	v8 =	vld.idx.msk [tilespmem:v8+s13+$0x0], $0xffff;
	v17 =	vor.u32 $0x280, v1  }
0x114: {  	[tilespmem:s6+$0x110] =	vst v15;
	v15 =	vor.u32 $0x200, v3;
	v11 =	vld.idx.msk [tilespmem:v11+s13+$0x0], $0xffff  }
0x115: {  	v16 =	vld.idx.msk [tilespmem:v16+s13+$0x0], $0xffff;
	[tilespmem:s4+$0x100] =	vst v10  }
0x116: {  	s19 =	sor.u32 $0x300, s11;
	v10 =	vor.u32 $0x200, v4;
	v13 =	vld.idx.msk [tilespmem:v13+s13+$0x0], $0xffff;
	[tilespmem:s4+$0x110] =	vst v9  }
0x117: {  	v6 =	vor.u32 $0x200, v14;
	[tilespmem:s19+$0x15000] =	vst v12;
	v7 =	vld.idx.msk [tilespmem:v7+s13+$0x0], $0xffff  }
0x118: {  	v12 =	vor.u32 $0x200, v5;
	[tilespmem:s6+$0x180] =	vst v8;
	v9 =	vld.idx.msk [tilespmem:v17+s13+$0x0], $0xffff  }
0x119: {  	v8 =	vor.u32 $0x280, v2;
	v15 =	vld.idx.msk [tilespmem:v15+s13+$0x0], $0xffff;
	[tilespmem:s28+$0x210] =	vst v11  }
0x11a: {  	[tilespmem:s6+$0x190] =	vst v16;
	v16 =	vor.u32 $0x280, v3  }
0x11b: {  	v17 =	vor.u32 $0x300, v1;
	v10 =	vld.idx.msk [tilespmem:v10+s13+$0x0], $0xffff;
	[tilespmem:s4+$0x180] =	vst v13  }
0x11c: {  	v13 =	vor.u32 $0x280, v4;
	v6 =	vld.idx.msk [tilespmem:v6+s13+$0x0], $0xffff;
	[tilespmem:s4+$0x190] =	vst v7  }
0x11d: {  	[tilespmem:s28+$0x280] =	vst v9;
	v7 =	vor.u32 $0x280, v14;
	v9 =	vld.idx.msk [tilespmem:v12+s13+$0x0], $0xffff  }
0x11e: {  	v11 =	vor.u32 $0x280, v5;
	v8 =	vld.idx.msk [tilespmem:v8+s13+$0x0], $0xffff;
	[tilespmem:s6+$0x200] =	vst v15  }
0x11f: {  	v0 =	vor.u32 $0x380, v0;
	v16 =	vld.idx.msk [tilespmem:v16+s13+$0x0], $0xffff  }
0x120: {  	s20 =	sadd.s32 $0x1, s3;
	v15 =	vor.u32 $0x300, v2;
	v12 =	vld.idx.msk [tilespmem:v17+s13+$0x0], $0xffff;
	[tilespmem:s6+$0x210] =	vst v10  }
0x121: {  	s3 =	sand.u32 $0x3, s20;
	v10 =	vor.u32 $0x300, v3;
	v13 =	vld.idx.msk [tilespmem:v13+s13+$0x0], $0xffff;
	[tilespmem:s4+$0x200] =	vst v6  }
0x122: {  	s3 =	sshll.u32 s3, $0x5;
	v6 =	vor.u32 $0x300, v4;
	v7 =	vld.idx.msk [tilespmem:v7+s13+$0x0], $0xffff;
	[tilespmem:s4+$0x210] =	vst v9  }
0x123: {  	s3 =	sadd.s32 s3, s26;
	[tilespmem:s28+$0x290] =	vst v8;
	v9 =	vor.u32 $0x300, v14;
	v11 =	vld.idx.msk [tilespmem:v11+s13+$0x0], $0xffff  }
0x124: {  	s21 =	sor.u32 $0x300, s3;
	v0 =	vld.idx.msk [tilespmem:v0+s13+$0x0], $0xffff;
	v8 =	vor.u32 $0x300, v5;
	[tilespmem:s6+$0x280] =	vst v16  }
0x125: {  	v1 =	vor.u32 $0x380, v1;
	[tilespmem:s21+$0x15000] =	vst v12;
	v12 =	vld.idx.msk [tilespmem:v15+s13+$0x0], $0xffff  }
0x126: {  	s0 =	sadd.s32 $0x1, s20;
	v2 =	vor.u32 $0x380, v2;
	v10 =	vld.idx.msk [tilespmem:v10+s13+$0x0], $0xffff;
	[tilespmem:s6+$0x290] =	vst v13  }
0x127: {  	s8 =	sand.u32 $0x3, s0;
	s0 =	sadd.s32 $0x1, s0;
	v3 =	vor.u32 $0x380, v3;
	v6 =	vld.idx.msk [tilespmem:v6+s13+$0x0], $0xffff;
	[tilespmem:s4+$0x280] =	vst v7  }
0x128: {  	s26 =	sor.u32 $0x380, s11;
	s7 =	sshll.u32 s8, $0x5;
	s9 =	sadd.s32 $0x10, s3;
	v4 =	vor.u32 $0x380, v4;
	v7 =	vld.idx.msk [tilespmem:v9+s13+$0x0], $0xffff;
	[tilespmem:s4+$0x290] =	vst v11  }
0x129: {  	s0 =	sand.u32 $0x3, s0;
	s2 =	sadd.s32 s7, s2;
	s10 =	sor.u32 $0x300, s9;
	[tilespmem:s26+$0x15000] =	vst v0;
	v0 =	vor.u32 $0x380, v14;
	v8 =	vld.idx.msk [tilespmem:v8+s13+$0x0], $0xffff  }
0x12a: {  	s0 =	sshll.u32 s0, $0x5;
	s11 =	sor.u32 $0x300, s2;
	s12 =	sadd.s32 $0x10, s2;
	v5 =	vor.u32 $0x380, v5;
	v1 =	vld.idx.msk [tilespmem:v1+s13+$0x0], $0xffff;
	[tilespmem:s10+$0x15000] =	vst v12  }
0x12b: {  	s0 =	sadd.s32 s0, s1;
	s15 =	sor.u32 $0x300, s12;
	v2 =	vld.idx.msk [tilespmem:v2+s13+$0x0], $0xffff;
	[tilespmem:s11+$0x15000] =	vst v10  }
0x12c: {  	s1 =	sor.u32 $0x300, s0;
	s16 =	sadd.s32 $0x10, s0;
	v3 =	vld.idx.msk [tilespmem:v3+s13+$0x0], $0xffff;
	[tilespmem:s15+$0x15000] =	vst v6  }
0x12d: {  	s18 =	sor.u32 $0x300, s16;
	v4 =	vld.idx.msk [tilespmem:v4+s13+$0x0], $0xffff;
	[tilespmem:s1+$0x15000] =	vst v7  }
0x12e: {  	s3 =	sor.u32 $0x380, s3;
	v0 =	vld.idx.msk [tilespmem:v0+s13+$0x0], $0xffff;
	[tilespmem:s18+$0x15000] =	vst v8  }
0x12f: {  	s19 =	sor.u32 $0x380, s9;
	[tilespmem:s3+$0x15000] =	vst v1;
	v1 =	vld.idx.msk [tilespmem:v5+s13+$0x0], $0xffff  }
0x130: {  	s2 =	sor.u32 $0x380, s2;
	[tilespmem:s19+$0x15000] =	vst v2  }
0x131: {  	s20 =	sor.u32 $0x380, s12;
	[tilespmem:s2+$0x15000] =	vst v3  }
0x132: {  	s0 =	sor.u32 $0x380, s0;
	[tilespmem:s20+$0x15000] =	vst v4  }
0x133: {  	s21 =	sor.u32 $0x380, s16;
	[tilespmem:s0+$0x15000] =	vst v0  }
0x134: {  	[tilespmem:s21+$0x15000] =	vst v1  }
0x135: {  	s0 =	rddreg [dreg:$0x7]  }
0x136: {  	s26 =	simm.s32 $0x15000;
	s0 =	sadd.s32 s25, s0  }
0x137: {  	[hbm4b:s0+s17] =	stream.linear.scatter [tilespmem:s26], [sflag:$0x4], $0x4000, $0x38;
	[tilespmem:$0x19000] =	vst v63  }
0x138: {  	p0 =	seq.s32 s22, $0x1F;
	s0 =	rddreg [dreg:$0x8]  }
0x139: {  	s0 =	sadd.s32 @!p0 s24, s0  }
0x13a: {  	s0 =	sshll.u32 @!p0 s0, $0xC  }
0x13b: {  	s0 =	sand.u32 @!p0 $0x1FFFE000, s0  }
0x13c: {  	s1 =	simm.s32 @!p0 $0x0;
	s2 =	simm.s32 @!p0 $0x1000;
	s0 =	sadd.s32 @!p0 s5, s0  }
0x13d: {  	[tilespmem:s2], [sflag:$0x1] =	stream.linear.gather @!p0 [hbm4b:s0+s1], $0x8000, $0x38;
	[tilespmem:$0x19000] =	vst v63  }
0x13e: {  	s2 =	simm.s32 $0x2  }
0x13f: {  	_ =	swait.ge [sflag:s2], $0x8000  }
0x140: {  	[sflag:s2] =	ssyncset.done $0x0  }
0x141: {  	s3 =	simm.s32 $0x3;
	s1 =	simm.s32 $0x0;
	[sflag:s2] =	ssyncadd.s32 $0xFFFF8000  }
0x142: {  	s31 =	smov.u32 s5;
	s5 =	sand.u32 $0x60, s1;
	_ =	swait.ge [sflag:s3], $0x4000  }
0x143: {  	s8 =	sand.u32 $0x780, s1;
	s7 =	sor.u32 $0x10, s5;
	[sflag:s3] =	ssyncset.done $0x0  }
0x144: {  	s0 =	sor.u32 s7, s8;
	[sflag:s3] =	ssyncadd.s32 $0xFFFFC000  }
0x145: {  	v0 =	vld [tilespmem:s0+$0x0];
	_ =	sdelay $0x3  }
0x146: {  	v2 =	vld [tilespmem:s1+$0x0]  }
0x147: {  	v1 =	vshll.u32 v0, $0x3  }
0x148: {  	v0 =	vand.u32 $0x7F, v0;
	v1 =	vand.u32 $0xFFFFFC00, v1  }
0x149: {  	s9 =	simm.s32 $0x20;
	v5 =	vor.u32 v0, v1  }
0x14a: {  	s10 =	sand.u32 $0x60, s9  }
0x14b: {  	s12 =	sand.u32 $0x780, s9;
	s11 =	sor.u32 $0x10, s10;
	v0 =	vshll.u32 v2, $0x3  }
0x14c: {  	s6 =	sor.u32 s11, s12;
	v1 =	vand.u32 $0x7F, v2;
	v0 =	vand.u32 $0xFFFFFC00, v0  }
0x14d: {  	v6 =	vor.u32 v1, v0;
	v0 =	vld [tilespmem:s6+$0x0]  }
0x14e: {  	v2 =	vld.idx.msk [tilespmem:v5+s14+$0x0], $0xffff  }
0x14f: {  	v1 =	vor.u32 $0x80, v5  }
0x150: {  	s15 =	sand.u32 $0x3C00, s1  }
0x151: {  	s6 =	sadd.s32 $0x11000, s15  }
0x152: {  	s3 =	sor.u32 s7, s6;
	v3 =	vld.idx.msk [tilespmem:v6+s14+$0x0], $0xffff  }
0x153: {  	v4 =	vor.u32 $0x80, v6;
	[tilespmem:s3+$0x0] =	vst v2;
	v2 =	vshll.u32 v0, $0x3  }
0x154: {  	v0 =	vand.u32 $0x7F, v0;
	v7 =	vld.idx.msk [tilespmem:v1+s14+$0x0], $0xffff;
	v1 =	vand.u32 $0xFFFFFC00, v2  }
0x155: {  	v1 =	vor.u32 v0, v1;
	v0 =	vld [tilespmem:s9+$0x0]  }
0x156: {  	s6 =	sor.u32 s5, s6  }
0x157: {  	s16 =	simm.s32 $0x40;
	v2 =	vor.u32 $0x100, v5;
	[tilespmem:s6+$0x0] =	vst v3  }
0x158: {  	s17 =	sand.u32 $0x60, s16;
	v3 =	vld.idx.msk [tilespmem:v4+s14+$0x0], $0xffff  }
0x159: {  	s19 =	sand.u32 $0x780, s16;
	s18 =	sor.u32 $0x10, s17;
	v8 =	vor.u32 $0x100, v6  }
0x15a: {  	s9 =	sor.u32 s18, s19;
	[tilespmem:s3+$0x80] =	vst v7;
	v7 =	vld.idx.msk [tilespmem:v1+s14+$0x0], $0xffff;
	v4 =	vshll.u32 v0, $0x3  }
0x15b: {  	s26 =	simm.s32 $0x100;
	v9 =	vor.u32 $0x80, v1;
	v10 =	vld [tilespmem:s9+$0x0];
	v0 =	vand.u32 $0x7F, v0;
	v4 =	vand.u32 $0xFFFFFC00, v4  }
0x15c: {  	s20 =	sand.u32 $0x3C00, s26;
	v2 =	vld.idx.msk [tilespmem:v2+s14+$0x0], $0xffff;
	v4 =	vor.u32 v0, v4  }
0x15d: {  	s9 =	sadd.s32 $0x11000, s20;
	[tilespmem:s6+$0x80] =	vst v3;
	v0 =	vor.u32 $0x180, v5  }
0x15e: {  	s30 =	sor.u32 s11, s9;
	v3 =	vld.idx.msk [tilespmem:v8+s14+$0x0], $0xffff  }
0x15f: {  	[tilespmem:s30+$0x0] =	vst v7;
	v7 =	vor.u32 $0x180, v6  }
0x160: {  	v8 =	vld.idx.msk [tilespmem:v9+s14+$0x0], $0xffff  }
0x161: {  	v11 =	vor.u32 $0x100, v1;
	[tilespmem:s3+$0x100] =	vst v2;
	v2 =	vshll.u32 v10, $0x3;
	v9 =	vld.idx.msk [tilespmem:v4+s14+$0x0], $0xffff  }
0x162: {  	v13 =	vor.u32 $0x80, v4;
	v2 =	vand.u32 $0xFFFFFC00, v2;
	v12 =	vld.idx.msk [tilespmem:v0+s14+$0x0], $0xffff;
	v0 =	vand.u32 $0x7F, v10  }
0x163: {  	[tilespmem:s6+$0x100] =	vst v3;
	v0 =	vor.u32 v0, v2;
	v2 =	vld [tilespmem:s16+$0x0]  }
0x164: {  	v3 =	vor.u32 $0x200, v5;
	v7 =	vld.idx.msk [tilespmem:v7+s14+$0x0], $0xffff  }
0x165: {  	s0 =	sor.u32 s10, s9;
	[tilespmem:s30+$0x80] =	vst v8;
	v8 =	vor.u32 $0x200, v6  }
0x166: {  	[tilespmem:s0+$0x0] =	vst v9;
	v9 =	vld.idx.msk [tilespmem:v11+s14+$0x0], $0xffff  }
0x167: {  	s21 =	simm.s32 $0x60;
	v11 =	vor.u32 $0x180, v1;
	v10 =	vld.idx.msk [tilespmem:v13+s14+$0x0], $0xffff  }
0x168: {  	s2 =	sand.u32 $0x60, s21;
	v14 =	vor.u32 $0x100, v4;
	[tilespmem:s3+$0x180] =	vst v12;
	v12 =	vld.idx.msk [tilespmem:v0+s14+$0x0], $0xffff;
	v13 =	vshll.u32 v2, $0x3  }
0x169: {  	s24 =	simm.s32 $0x200;
	s5 =	sor.u32 $0x10, s2;
	s10 =	sand.u32 $0x780, s21;
	v15 =	vor.u32 $0x80, v0;
	v3 =	vld.idx.msk [tilespmem:v3+s14+$0x0], $0xffff;
	v2 =	vand.u32 $0x7F, v2;
	v13 =	vand.u32 $0xFFFFFC00, v13;
	[tilespmem:s6+$0x180] =	vst v7  }
0x16a: {  	s12 =	sand.u32 $0x3C00, s24;
	s10 =	sor.u32 s5, s10;
	v2 =	vor.u32 v2, v13;
	v7 =	vld.idx.msk [tilespmem:v8+s14+$0x0], $0xffff  }
0x16b: {  	s15 =	sadd.s32 $0x11000, s12;
	v8 =	vld [tilespmem:s10+$0x0];
	[tilespmem:s30+$0x100] =	vst v9;
	v9 =	vor.u32 $0x280, v6  }
0x16c: {  	s25 =	sor.u32 s18, s15;
	[tilespmem:s0+$0x80] =	vst v10;
	v10 =	vld.idx.msk [tilespmem:v11+s14+$0x0], $0xffff;
	v11 =	vor.u32 $0x280, v5  }
0x16d: {  	[tilespmem:s25+$0x0] =	vst v12;
	v12 =	vld.idx.msk [tilespmem:v14+s14+$0x0], $0xffff  }
0x16e: {  	v13 =	vor.u32 $0x200, v1;
	v14 =	vld.idx.msk [tilespmem:v15+s14+$0x0], $0xffff  }
0x16f: {  	v16 =	vor.u32 $0x180, v4;
	v15 =	vld.idx.msk [tilespmem:v2+s14+$0x0], $0xffff;
	[tilespmem:s6+$0x200] =	vst v7  }
0x170: {  	[tilespmem:s3+$0x200] =	vst v3;
	v3 =	vshll.u32 v8, $0x3;
	v7 =	vor.u32 $0x100, v0;
	v9 =	vld.idx.msk [tilespmem:v9+s14+$0x0], $0xffff  }
0x171: {  	v17 =	vor.u32 $0x80, v2;
	v8 =	vand.u32 $0x7F, v8;
	v3 =	vand.u32 $0xFFFFFC00, v3;
	[tilespmem:s30+$0x180] =	vst v10;
	v10 =	vld.idx.msk [tilespmem:v11+s14+$0x0], $0xffff  }
0x172: {  	v3 =	vor.u32 v8, v3;
	v11 =	vld [tilespmem:s21+$0x0]  }
0x173: {  	v8 =	vld.idx.msk [tilespmem:v13+s14+$0x0], $0xffff;
	[tilespmem:s0+$0x100] =	vst v12;
	v12 =	vor.u32 $0x300, v5  }
0x174: {  	s29 =	sor.u32 s17, s15;
	[tilespmem:s25+$0x80] =	vst v14;
	v13 =	vor.u32 $0x300, v6;
	v14 =	vld.idx.msk [tilespmem:v16+s14+$0x0], $0xffff  }
0x175: {  	[tilespmem:s29+$0x0] =	vst v15;
	v7 =	vld.idx.msk [tilespmem:v7+s14+$0x0], $0xffff  }
0x176: {  	s4 =	simm.s32 $0x80;
	v16 =	vor.u32 $0x200, v4;
	v15 =	vld.idx.msk [tilespmem:v17+s14+$0x0], $0xffff  }
0x177: {  	s12 =	sand.u32 $0x60, s4;
	v18 =	vor.u32 $0x180, v0;
	v17 =	vld.idx.msk [tilespmem:v3+s14+$0x0], $0xffff;
	[tilespmem:s3+$0x280] =	vst v10  }
0x178: {  	s16 =	sand.u32 $0x780, s4;
	s21 =	sor.u32 $0x10, s12;
	[tilespmem:s6+$0x280] =	vst v9;
	v9 =	vor.u32 $0x100, v2;
	v10 =	vld.idx.msk [tilespmem:v12+s14+$0x0], $0xffff  }
0x179: {  	s28 =	simm.s32 $0x300;
	s1 =	sand.u32 $0x3, s1;
	s3 =	sor.u32 s21, s16;
	v12 =	vor.u32 $0x80, v3;
	v13 =	vld.idx.msk [tilespmem:v13+s14+$0x0], $0xffff  }
0x17a: {  	s1 =	sshll.u32 s1, $0x5;
	v63 =	vor.u32 $0x380, v5;
	s17 =	sand.u32 $0x3C00, s28;
	v19 =	vshll.u32 v11, $0x3;
	v20 =	vld [tilespmem:s3+$0x0];
	[tilespmem:s0+$0x180] =	vst v14  }
0x17b: {  	s8 =	sadd.s32 $0x11000, s17;
	s17 =	sadd.s32 $0x0, s1;
	v6 =	vor.u32 $0x380, v6;
	v11 =	vand.u32 $0x7F, v11;
	v5 =	vand.u32 $0xFFFFFC00, v19;
	[tilespmem:s25+$0x100] =	vst v7;
	v7 =	vld.idx.msk [tilespmem:v16+s14+$0x0], $0xffff  }
0x17c: {  	s15 =	sadd.s32 $0x10, s17;
	s11 =	sor.u32 s5, s8;
	v5 =	vor.u32 v11, v5;
	[tilespmem:s29+$0x80] =	vst v15;
	v16 =	vld.idx.msk [tilespmem:v18+s14+$0x0], $0xffff  }
0x17d: {  	s18 =	sor.u32 $0x300, s15;
	v19 =	vor.u32 $0x280, v4;
	v14 =	vld.idx.msk [tilespmem:v9+s14+$0x0], $0xffff;
	[tilespmem:s11+$0x0] =	vst v17  }
0x17e: {  	s19 =	sor.u32 $0x300, s17;
	v17 =	vor.u32 $0x280, v1;
	v15 =	vld.idx.msk [tilespmem:v12+s14+$0x0], $0xffff;
	[tilespmem:s18+$0x11000] =	vst v10  }
0x17f: {  	v18 =	vor.u32 $0x200, v0;
	[tilespmem:s19+$0x11000] =	vst v13;
	v12 =	vld.idx.msk [tilespmem:v63+s14+$0x0], $0xffff  }
0x180: {  	s20 =	simm.s32 $0x1;
	[tilespmem:s30+$0x200] =	vst v8;
	v11 =	vld.idx.msk [tilespmem:v6+s14+$0x0], $0xffff  }
0x181: {  	s7 =	simm.s32 $0x2;
	s1 =	sand.u32 $0x3, s20;
	s10 =	simm.s32 $0xA0;
	v8 =	vor.u32 $0x80, v5;
	v9 =	vshll.u32 v20, $0x3;
	v10 =	vor.u32 $0x180, v2;
	v13 =	vld.idx.msk [tilespmem:v5+s14+$0x0], $0xffff;
	[tilespmem:s0+$0x200] =	vst v7  }
0x182: {  	s6 =	simm.s32 $0x8;
	s16 =	simm.s32 $0xA0;
	s3 =	simm.s32 $0x400;
	v6 =	vand.u32 $0x7F, v20;
	v7 =	vand.u32 $0xFFFFFC00, v9;
	v9 =	vor.u32 $0x100, v3;
	[tilespmem:s25+$0x180] =	vst v16;
	v16 =	vld.idx.msk [tilespmem:v19+s14+$0x0], $0xffff  }
.LBB2_7:
0x183: {  	s9 =	sand.u32 $0x60, s10;
	s6 =	sadd.s32 $0x2, s6;
	[tilespmem:s29+$0x100] =	vst v14;
	v14 =	vld.idx.msk [tilespmem:v17+s14+$0x0], $0xffff;
	s17 =	sor.u32 $0x380, s17  }
0x184: {  	s19 =	sand.u32 $0x780, s10;
	v6 =	vor.u32 v6, v7;
	s15 =	sor.u32 $0x380, s15;
	s18 =	sor.u32 $0x10, s9;
	[tilespmem:s11+$0x80] =	vst v15;
	v7 =	vld.idx.msk [tilespmem:v18+s14+$0x0], $0xffff  }
0x185: {  	s20 =	sand.u32 $0x3, s7;
	v17 =	vor.u32 $0x300, v4;
	p0 =	slt.u32 s6, $0x7E;
	v18 =	vor.u32 $0x300, v1;
	s19 =	sor.u32 s18, s19;
	v15 =	vld [tilespmem:s4+$0x0];
	[tilespmem:s15+$0x11000] =	vst v12  }
0x186: {  	s8 =	sor.u32 s2, s8;
	s2 =	smov.u32 s12;
	s12 =	smov.u32 s9;
	v10 =	vld.idx.msk [tilespmem:v10+s14+$0x0], $0xffff;
	[tilespmem:s17+$0x11000] =	vst v11  }
0x187: {  	s4 =	smov.u32 s16;
	[tilespmem:s8+$0x0] =	vst v13;
	v9 =	vld.idx.msk [tilespmem:v9+s14+$0x0], $0xffff  }
0x188: {  	v11 =	vor.u32 $0x200, v2;
	v8 =	vld.idx.msk [tilespmem:v8+s14+$0x0], $0xffff;
	[tilespmem:s0+$0x280] =	vst v16;
	s0 =	smov.u32 s29;
	s29 =	smov.u32 s8  }
0x189: {  	v13 =	vor.u32 $0x180, v3;
	v12 =	vld.idx.msk [tilespmem:v6+s14+$0x0], $0xffff;
	[tilespmem:s30+$0x280] =	vst v14;
	s30 =	smov.u32 s25;
	s25 =	smov.u32 s11  }
0x18a: {  	v16 =	vor.u32 $0x100, v5;
	v14 =	vshll.u32 v15, $0x3;
	[tilespmem:s30+$0x200] =	vst v7;
	v7 =	vld.idx.msk [tilespmem:v18+s14+$0x0], $0xffff  }
0x18b: {  	v18 =	vor.u32 $0x80, v6;
	v14 =	vand.u32 $0xFFFFFC00, v14;
	v19 =	vld.idx.msk [tilespmem:v17+s14+$0x0], $0xffff  }
0x18c: {  	v21 =	vor.u32 $0x380, v1;
	s9 =	sshll.u32 s1, $0x5;
	v1 =	vmovc v0;
	v0 =	vmovc v3;
	s1 =	smov.u32 s20;
	v3 =	vmov v6;
	s8 =	sand.u32 $0x3C00, s3;
	v20 =	vld [tilespmem:s19+$0x0];
	[tilespmem:s0+$0x180] =	vst v10;
	v10 =	vor.u32 $0x380, v4  }
0x18d: {  	s17 =	sadd.s32 s9, s26;
	s26 =	smov.u32 s24;
	s8 =	sadd.s32 $0x11000, s8;
	v6 =	vand.u32 $0x7F, v15;
	v4 =	vmov v2;
	v2 =	vmov v5;
	[tilespmem:s25+$0x100] =	vst v9;
	v9 =	vld.idx.msk [tilespmem:v11+s14+$0x0], $0xffff  }
0x18e: {  	s15 =	sadd.s32 $0x10, s17;
	s11 =	sor.u32 s21, s8;
	s21 =	smov.u32 s18;
	v5 =	vor.u32 v6, v14;
	[tilespmem:s29+$0x80] =	vst v8;
	v22 =	vld.idx.msk [tilespmem:v13+s14+$0x0], $0xffff  }
0x18f: {  	s24 =	smov.u32 s28;
	s9 =	sor.u32 $0x300, s17;
	s18 =	sor.u32 $0x300, s15;
	v8 =	vor.u32 $0x80, v5;
	[tilespmem:s11+$0x0] =	vst v12;
	v14 =	vld.idx.msk [tilespmem:v16+s14+$0x0], $0xffff;
	v16 =	vor.u32 $0x280, v4  }
.Ltmp2:
0x190: {  	s28 =	smov.u32 s3;
	v17 =	vor.u32 $0x280, v1;
	v15 =	vld.idx.msk [tilespmem:v18+s14+$0x0], $0xffff;
	[tilespmem:s18+$0x11000] =	vst v7;
	(pc) =	sbr.rel @p0 .LBB2_7-.Ltmp2, $4  }
0x191: {  	v18 =	vor.u32 $0x200, v0;
	v6 =	vand.u32 $0x7F, v20;
	v7 =	vshll.u32 v20, $0x3;
	[tilespmem:s9+$0x11000] =	vst v19;
	v12 =	vld.idx.msk [tilespmem:v21+s14+$0x0], $0xffff  }
0x192: {  	v7 =	vand.u32 $0xFFFFFC00, v7;
	v11 =	vld.idx.msk [tilespmem:v10+s14+$0x0], $0xffff  }
0x193: {  	s7 =	sadd.s32 $0x1, s7;
	v10 =	vor.u32 $0x180, v2;
	v13 =	vld.idx.msk [tilespmem:v5+s14+$0x0], $0xffff;
	[tilespmem:s0+$0x200] =	vst v9  }
0x194: {  	s10 =	sadd.s32 $0x20, s10;
	s16 =	sadd.s32 $0x20, s16;
	s3 =	sadd.s32 $0x100, s3;
	v9 =	vor.u32 $0x100, v3;
	[tilespmem:s25+$0x180] =	vst v22;
	v16 =	vld.idx.msk [tilespmem:v16+s14+$0x0], $0xffff  }
0x195: {  	v19 =	vld [tilespmem:s4+$0x0];
	_ =	sdelay $0x4  }
0x196: {  	v20 =	vshll.u32 v19, $0x3  }
0x197: {  	v7 =	vor.u32 v6, v7;
	v19 =	vand.u32 $0x7F, v19;
	v6 =	vand.u32 $0xFFFFFC00, v20  }
0x198: {  	v6 =	vor.u32 v19, v6;
	_ =	sdelay $0x3  }
0x199: {  	[tilespmem:s29+$0x100] =	vst v14;
	v14 =	vld.idx.msk [tilespmem:v7+s14+$0x0], $0xffff  }
0x19a: {  	[tilespmem:s11+$0x80] =	vst v15;
	s6 =	sor.u32 $0x380, s15;
	v15 =	vor.u32 $0x80, v7;
	v19 =	vld.idx.msk [tilespmem:v6+s14+$0x0], $0xffff  }
0x19b: {  	s9 =	sor.u32 $0x380, s17;
	s10 =	sand.u32 $0x3C00, s3;
	[tilespmem:s6+$0x11000] =	vst v12;
	v12 =	vor.u32 $0x80, v6  }
0x19c: {  	v17 =	vld.idx.msk [tilespmem:v17+s14+$0x0], $0xffff;
	s6 =	sor.u32 s2, s8;
	s15 =	sadd.s32 $0x11000, s10;
	[tilespmem:s9+$0x11000] =	vst v11  }
0x19d: {  	v11 =	vld.idx.msk [tilespmem:v18+s14+$0x0], $0xffff;
	s4 =	sor.u32 s21, s15;
	[tilespmem:s6+$0x0] =	vst v13  }
0x19e: {  	s2 =	sor.u32 s12, s15;
	v13 =	vor.u32 $0x300, v1;
	v8 =	vld.idx.msk [tilespmem:v8+s14+$0x0], $0xffff;
	[tilespmem:s4+$0x0] =	vst v14  }
0x19f: {  	v14 =	vor.u32 $0x100, v5;
	v15 =	vld.idx.msk [tilespmem:v15+s14+$0x0], $0xffff;
	[tilespmem:s2+$0x0] =	vst v19  }
0x1a0: {  	[tilespmem:s0+$0x280] =	vst v16;
	v16 =	vor.u32 $0x100, v7;
	v12 =	vld.idx.msk [tilespmem:v12+s14+$0x0], $0xffff  }
0x1a1: {  	v10 =	vld.idx.msk [tilespmem:v10+s14+$0x0], $0xffff;
	[tilespmem:s30+$0x280] =	vst v17;
	v17 =	vor.u32 $0x100, v6  }
0x1a2: {  	v9 =	vld.idx.msk [tilespmem:v9+s14+$0x0], $0xffff;
	[tilespmem:s25+$0x200] =	vst v11;
	v11 =	vor.u32 $0x200, v2  }
0x1a3: {  	v18 =	vor.u32 $0x300, v4;
	v13 =	vld.idx.msk [tilespmem:v13+s14+$0x0], $0xffff;
	[tilespmem:s6+$0x80] =	vst v8  }
0x1a4: {  	s16 =	sshll.u32 s1, $0x5;
	v8 =	vor.u32 $0x180, v3;
	v14 =	vld.idx.msk [tilespmem:v14+s14+$0x0], $0xffff;
	[tilespmem:s4+$0x80] =	vst v15  }
0x1a5: {  	s0 =	sadd.s32 s16, s26;
	v15 =	vor.u32 $0x180, v5;
	v16 =	vld.idx.msk [tilespmem:v16+s14+$0x0], $0xffff;
	[tilespmem:s2+$0x80] =	vst v12  }
0x1a6: {  	s17 =	sadd.s32 $0x10, s0;
	[tilespmem:s29+$0x180] =	vst v10;
	v10 =	vor.u32 $0x180, v7;
	v12 =	vld.idx.msk [tilespmem:v17+s14+$0x0], $0xffff  }
0x1a7: {  	[tilespmem:s11+$0x100] =	vst v9;
	s18 =	sor.u32 $0x300, s17;
	v9 =	vor.u32 $0x180, v6;
	v11 =	vld.idx.msk [tilespmem:v11+s14+$0x0], $0xffff  }
0x1a8: {  	v1 =	vor.u32 $0x380, v1;
	[tilespmem:s18+$0x11000] =	vst v13;
	v17 =	vld.idx.msk [tilespmem:v18+s14+$0x0], $0xffff  }
0x1a9: {  	v4 =	vor.u32 $0x380, v4;
	v8 =	vld.idx.msk [tilespmem:v8+s14+$0x0], $0xffff;
	[tilespmem:s6+$0x100] =	vst v14  }
0x1aa: {  	v13 =	vor.u32 $0x200, v3;
	v14 =	vld.idx.msk [tilespmem:v15+s14+$0x0], $0xffff;
	[tilespmem:s4+$0x100] =	vst v16  }
0x1ab: {  	v15 =	vor.u32 $0x200, v5;
	v10 =	vld.idx.msk [tilespmem:v10+s14+$0x0], $0xffff;
	[tilespmem:s2+$0x100] =	vst v12  }
0x1ac: {  	s19 =	sor.u32 $0x300, s0;
	[tilespmem:s29+$0x200] =	vst v11;
	v12 =	vor.u32 $0x200, v7;
	v9 =	vld.idx.msk [tilespmem:v9+s14+$0x0], $0xffff  }
0x1ad: {  	v1 =	vld.idx.msk [tilespmem:v1+s14+$0x0], $0xffff;
	v11 =	vor.u32 $0x200, v6;
	[tilespmem:s19+$0x11000] =	vst v17  }
0x1ae: {  	[tilespmem:s11+$0x180] =	vst v8;
	v16 =	vor.u32 $0x280, v0;
	v4 =	vld.idx.msk [tilespmem:v4+s14+$0x0], $0xffff  }
0x1af: {  	v8 =	vor.u32 $0x280, v2;
	v13 =	vld.idx.msk [tilespmem:v13+s14+$0x0], $0xffff;
	[tilespmem:s6+$0x180] =	vst v14  }
0x1b0: {  	v14 =	vld.idx.msk [tilespmem:v15+s14+$0x0], $0xffff;
	v15 =	vor.u32 $0x280, v3;
	[tilespmem:s4+$0x180] =	vst v10  }
0x1b1: {  	s1 =	sor.u32 $0x380, s17;
	v10 =	vor.u32 $0x280, v5;
	v12 =	vld.idx.msk [tilespmem:v12+s14+$0x0], $0xffff;
	[tilespmem:s2+$0x180] =	vst v9  }
0x1b2: {  	s0 =	sor.u32 $0x380, s0;
	[tilespmem:s1+$0x11000] =	vst v1;
	v9 =	vor.u32 $0x280, v7;
	v1 =	vld.idx.msk [tilespmem:v11+s14+$0x0], $0xffff  }
0x1b3: {  	[tilespmem:s0+$0x11000] =	vst v4;
	v4 =	vor.u32 $0x280, v6;
	v11 =	vld.idx.msk [tilespmem:v16+s14+$0x0], $0xffff  }
0x1b4: {  	v8 =	vld.idx.msk [tilespmem:v8+s14+$0x0], $0xffff;
	[tilespmem:s11+$0x200] =	vst v13;
	v16 =	vor.u32 $0x300, v0  }
0x1b5: {  	v13 =	vor.u32 $0x300, v2;
	[tilespmem:s6+$0x200] =	vst v14;
	v14 =	vld.idx.msk [tilespmem:v15+s14+$0x0], $0xffff  }
0x1b6: {  	v15 =	vor.u32 $0x300, v3;
	v10 =	vld.idx.msk [tilespmem:v10+s14+$0x0], $0xffff;
	[tilespmem:s4+$0x200] =	vst v12  }
0x1b7: {  	v12 =	vor.u32 $0x300, v5;
	[tilespmem:s2+$0x200] =	vst v1;
	v1 =	vld.idx.msk [tilespmem:v9+s14+$0x0], $0xffff  }
0x1b8: {  	[tilespmem:s25+$0x280] =	vst v11;
	v9 =	vor.u32 $0x300, v7;
	v4 =	vld.idx.msk [tilespmem:v4+s14+$0x0], $0xffff  }
0x1b9: {  	s20 =	sand.u32 $0x3, s7;
	[tilespmem:s29+$0x280] =	vst v8;
	v11 =	vor.u32 $0x300, v6;
	v8 =	vld.idx.msk [tilespmem:v16+s14+$0x0], $0xffff  }
0x1ba: {  	s21 =	sadd.s32 $0x1, s7;
	v13 =	vld.idx.msk [tilespmem:v13+s14+$0x0], $0xffff;
	s0 =	sshll.u32 s20, $0x5;
	v0 =	vor.u32 $0x380, v0;
	[tilespmem:s11+$0x280] =	vst v14  }
0x1bb: {  	s7 =	sand.u32 $0x3, s21;
	v2 =	vor.u32 $0x380, v2;
	s0 =	sadd.s32 s0, s24;
	[tilespmem:s6+$0x280] =	vst v10;
	v10 =	vld.idx.msk [tilespmem:v15+s14+$0x0], $0xffff  }
0x1bc: {  	s7 =	sshll.u32 s7, $0x5;
	s1 =	sadd.s32 $0x1, s21;
	v3 =	vor.u32 $0x380, v3;
	s25 =	sadd.s32 $0x10, s0;
	v12 =	vld.idx.msk [tilespmem:v12+s14+$0x0], $0xffff;
	[tilespmem:s4+$0x280] =	vst v1  }
0x1bd: {  	s7 =	sadd.s32 s7, s28;
	s1 =	sand.u32 $0x3, s1;
	s26 =	sor.u32 $0x300, s25;
	v1 =	vor.u32 $0x380, v5;
	[tilespmem:s2+$0x280] =	vst v4;
	v4 =	vld.idx.msk [tilespmem:v9+s14+$0x0], $0xffff  }
0x1be: {  	s30 =	sadd.s32 $0x10, s7;
	s1 =	sshll.u32 s1, $0x5;
	s29 =	sor.u32 $0x300, s0;
	v7 =	vor.u32 $0x380, v7;
	[tilespmem:s26+$0x11000] =	vst v8;
	v5 =	vld.idx.msk [tilespmem:v11+s14+$0x0], $0xffff  }
0x1bf: {  	s5 =	sor.u32 $0x300, s30;
	s1 =	sadd.s32 s1, s3;
	[tilespmem:s29+$0x11000] =	vst v13;
	v6 =	vor.u32 $0x380, v6;
	v0 =	vld.idx.msk [tilespmem:v0+s14+$0x0], $0xffff  }
0x1c0: {  	s8 =	sor.u32 $0x300, s7;
	s9 =	sadd.s32 $0x10, s1;
	v2 =	vld.idx.msk [tilespmem:v2+s14+$0x0], $0xffff;
	[tilespmem:s5+$0x11000] =	vst v10  }
0x1c1: {  	s10 =	sor.u32 $0x300, s9;
	v3 =	vld.idx.msk [tilespmem:v3+s14+$0x0], $0xffff;
	[tilespmem:s8+$0x11000] =	vst v12  }
0x1c2: {  	s11 =	sor.u32 $0x300, s1;
	v1 =	vld.idx.msk [tilespmem:v1+s14+$0x0], $0xffff;
	[tilespmem:s10+$0x11000] =	vst v4  }
0x1c3: {  	s12 =	sor.u32 $0x380, s25;
	[tilespmem:s11+$0x11000] =	vst v5;
	v4 =	vld.idx.msk [tilespmem:v7+s14+$0x0], $0xffff  }
0x1c4: {  	s0 =	sor.u32 $0x380, s0;
	[tilespmem:s12+$0x11000] =	vst v0;
	v0 =	vld.idx.msk [tilespmem:v6+s14+$0x0], $0xffff  }
0x1c5: {  	s15 =	sor.u32 $0x380, s30;
	[tilespmem:s0+$0x11000] =	vst v2  }
0x1c6: {  	s16 =	sor.u32 $0x380, s7;
	[tilespmem:s15+$0x11000] =	vst v3  }
0x1c7: {  	s17 =	sor.u32 $0x380, s9;
	[tilespmem:s16+$0x11000] =	vst v1  }
0x1c8: {  	s18 =	rddreg [dreg:$0x2];
	s21 =	simm.s32 $0x4;
	s1 =	sor.u32 $0x380, s1;
	[tilespmem:s17+$0x11000] =	vst v4  }
0x1c9: {  	s19 =	simm.s32 $0x0;
	s20 =	simm.s32 $0x11000;
	s0 =	sadd.s32 s18, s23;
	[tilespmem:s1+$0x11000] =	vst v0  }
0x1ca: {  	[hbm4b:s0+s19] =	stream.linear.scatter [tilespmem:s20], [sflag:$0x3], $0x4000, $0x38;
	[tilespmem:$0x19000] =	vst v63  }
0x1cb: {  	_ =	swait.ge [sflag:s21], $0x4000  }
0x1cc: {  	[sflag:s21] =	ssyncset.done $0x0  }
0x1cd: {  	s24 =	sand.u32 $0x7E0, s19;
	[sflag:s21] =	ssyncadd.s32 $0xFFFFC000  }
0x1ce: {  	v0 =	vld [tilespmem:s24+$0x800];
	_ =	sdelay $0x4  }
0x1cf: {  	v1 =	vshll.u32 v0, $0x3  }
0x1d0: {  	v0 =	vand.u32 $0x7F, v0;
	v1 =	vand.u32 $0xFFFFFC00, v1  }
0x1d1: {  	s25 =	simm.s32 $0x810;
	v3 =	vor.u32 v0, v1  }
0x1d2: {  	v0 =	vld [tilespmem:s25+$0x0];
	_ =	sdelay $0x3  }
0x1d3: {  	v1 =	vld.idx.msk [tilespmem:v3+s14+$0x0], $0xffff  }
0x1d4: {  	s26 =	simm.s32 $0x20;
	v4 =	vor.u32 $0x80, v3;
	v2 =	vshll.u32 v0, $0x3  }
0x1d5: {  	s28 =	sand.u32 $0x7E0, s26;
	v0 =	vand.u32 $0x7F, v0;
	v2 =	vand.u32 $0xFFFFFC00, v2  }
0x1d6: {  	s30 =	sand.u32 $0x3C00, s19;
	s29 =	sand.u32 $0x60, s19;
	v7 =	vor.u32 v0, v2;
	v0 =	vld [tilespmem:s28+$0x800]  }
0x1d7: {  	s5 =	sor.u32 s29, s30  }
0x1d8: {  	[tilespmem:s5+$0x15000] =	vst v1  }
0x1d9: {  	v1 =	vld.idx.msk [tilespmem:v4+s14+$0x0], $0xffff  }
0x1da: {  	v2 =	vor.u32 $0x100, v3  }
0x1db: {  	v4 =	vld.idx.msk [tilespmem:v7+s14+$0x0], $0xffff;
	v6 =	vshll.u32 v0, $0x3  }
0x1dc: {  	s6 =	simm.s32 $0x830;
	v5 =	vor.u32 $0x80, v7;
	v0 =	vand.u32 $0x7F, v0;
	v6 =	vand.u32 $0xFFFFFC00, v6  }
0x1dd: {  	s2 =	sadd.s32 $0x15000, s5;
	v8 =	vld [tilespmem:s6+$0x0];
	v6 =	vor.u32 v0, v6  }
0x1de: {  	[tilespmem:s2+$0x80] =	vst v1  }
0x1df: {  	v0 =	vld.idx.msk [tilespmem:v2+s14+$0x0], $0xffff  }
0x1e0: {  	v1 =	vor.u32 $0x180, v3;
	[tilespmem:s2+$0x10] =	vst v4  }
0x1e1: {  	v2 =	vld.idx.msk [tilespmem:v5+s14+$0x0], $0xffff  }
0x1e2: {  	v4 =	vor.u32 $0x100, v7;
	v5 =	vshll.u32 v8, $0x3;
	v9 =	vld.idx.msk [tilespmem:v6+s14+$0x0], $0xffff  }
0x1e3: {  	s10 =	simm.s32 $0x850;
	v10 =	vor.u32 $0x80, v6;
	v8 =	vand.u32 $0x7F, v8;
	v5 =	vand.u32 $0xFFFFFC00, v5  }
0x1e4: {  	s7 =	simm.s32 $0x40;
	s8 =	simm.s32 $0x100;
	[tilespmem:s2+$0x100] =	vst v0;
	v0 =	vor.u32 v8, v5;
	v8 =	vld [tilespmem:s10+$0x0]  }
0x1e5: {  	s9 =	sand.u32 $0x7E0, s7;
	s3 =	sand.u32 $0x3C00, s8;
	s0 =	sand.u32 $0x60, s26;
	v1 =	vld.idx.msk [tilespmem:v1+s14+$0x0], $0xffff  }
0x1e6: {  	s0 =	sor.u32 s0, s3;
	v5 =	vor.u32 $0x200, v3;
	[tilespmem:s2+$0x90] =	vst v2;
	v2 =	vld [tilespmem:s9+$0x800]  }
0x1e7: {  	v4 =	vld.idx.msk [tilespmem:v4+s14+$0x0], $0xffff;
	[tilespmem:s0+$0x15000] =	vst v9  }
0x1e8: {  	v9 =	vor.u32 $0x180, v7;
	v10 =	vld.idx.msk [tilespmem:v10+s14+$0x0], $0xffff  }
0x1e9: {  	v12 =	vor.u32 $0x100, v6;
	v11 =	vld.idx.msk [tilespmem:v0+s14+$0x0], $0xffff  }
0x1ea: {  	v13 =	vor.u32 $0x80, v0;
	[tilespmem:s2+$0x180] =	vst v1  }
0x1eb: {  	s11 =	simm.s32 $0x870;
	v1 =	vshll.u32 v2, $0x3;
	v5 =	vld.idx.msk [tilespmem:v5+s14+$0x0], $0xffff  }
0x1ec: {  	v14 =	vld [tilespmem:s11+$0x0];
	s0 =	sadd.s32 $0x15000, s0;
	v2 =	vand.u32 $0x7F, v2;
	[tilespmem:s2+$0x110] =	vst v4;
	v1 =	vand.u32 $0xFFFFFC00, v1;
	v4 =	vor.u32 $0x280, v3  }
0x1ed: {  	v9 =	vld.idx.msk [tilespmem:v9+s14+$0x0], $0xffff;
	v1 =	vor.u32 v2, v1;
	v2 =	vshll.u32 v8, $0x3;
	[tilespmem:s0+$0x80] =	vst v10  }
0x1ee: {  	s12 =	simm.s32 $0x60;
	v8 =	vand.u32 $0x7F, v8;
	v10 =	vor.u32 $0x200, v7;
	v2 =	vand.u32 $0xFFFFFC00, v2;
	v12 =	vld.idx.msk [tilespmem:v12+s14+$0x0], $0xffff;
	[tilespmem:s0+$0x10] =	vst v11  }
0x1ef: {  	s15 =	sand.u32 $0x7E0, s12;
	v2 =	vor.u32 v8, v2;
	v11 =	vor.u32 $0x180, v6;
	v8 =	vld.idx.msk [tilespmem:v13+s14+$0x0], $0xffff  }
0x1f0: {  	v17 =	vld [tilespmem:s15+$0x800];
	[tilespmem:s2+$0x200] =	vst v5  }
0x1f1: {  	v5 =	vor.u32 $0x100, v0;
	v4 =	vld.idx.msk [tilespmem:v4+s14+$0x0], $0xffff  }
0x1f2: {  	v13 =	vor.u32 $0x300, v3;
	[tilespmem:s2+$0x190] =	vst v9;
	v9 =	vld.idx.msk [tilespmem:v1+s14+$0x0], $0xffff  }
0x1f3: {  	v15 =	vor.u32 $0x80, v1;
	v10 =	vld.idx.msk [tilespmem:v10+s14+$0x0], $0xffff;
	[tilespmem:s0+$0x100] =	vst v12  }
0x1f4: {  	s24 =	simm.s32 $0x200;
	v11 =	vld.idx.msk [tilespmem:v11+s14+$0x0], $0xffff;
	[tilespmem:s0+$0x90] =	vst v8;
	v8 =	vor.u32 $0x280, v7  }
0x1f5: {  	s4 =	sand.u32 $0x60, s7;
	s16 =	sand.u32 $0x3C00, s24;
	v12 =	vor.u32 $0x200, v6;
	v16 =	vld.idx.msk [tilespmem:v2+s14+$0x0], $0xffff  }
0x1f6: {  	s4 =	sor.u32 s4, s16;
	v5 =	vld.idx.msk [tilespmem:v5+s14+$0x0], $0xffff;
	[tilespmem:s2+$0x280] =	vst v4  }
0x1f7: {  	v4 =	vor.u32 $0x180, v0;
	[tilespmem:s4+$0x15000] =	vst v9;
	v9 =	vld.idx.msk [tilespmem:v13+s14+$0x0], $0xffff  }
0x1f8: {  	s1 =	sand.u32 $0x3, s19;
	v13 =	vld.idx.msk [tilespmem:v15+s14+$0x0], $0xffff;
	[tilespmem:s2+$0x210] =	vst v10;
	v10 =	vor.u32 $0x380, v3  }
0x1f9: {  	s1 =	sshll.u32 s1, $0x5;
	v15 =	vor.u32 $0x100, v1;
	[tilespmem:s0+$0x180] =	vst v11;
	v8 =	vld.idx.msk [tilespmem:v8+s14+$0x0], $0xffff  }
0x1fa: {  	s18 =	simm.s32 $0x890;
	s17 =	sadd.s32 $0x0, s1;
	v11 =	vor.u32 $0x80, v2;
	v12 =	vld.idx.msk [tilespmem:v12+s14+$0x0], $0xffff  }
0x1fb: {  	s19 =	sor.u32 $0x300, s17;
	v19 =	vor.u32 $0x300, v7;
	v3 =	vshll.u32 v17, $0x3;
	[tilespmem:s0+$0x110] =	vst v5;
	v5 =	vld [tilespmem:s18+$0x0]  }
0x1fc: {  	s25 =	sadd.s32 $0x15000, s4;
	v3 =	vand.u32 $0xFFFFFC00, v3;
	v18 =	vld.idx.msk [tilespmem:v4+s14+$0x0], $0xffff;
	v4 =	vand.u32 $0x7F, v17;
	v17 =	vor.u32 $0x280, v6;
	[tilespmem:s19+$0x15000] =	vst v9  }
0x1fd: {  	v3 =	vor.u32 v4, v3;
	v4 =	vshll.u32 v14, $0x3;
	[tilespmem:s25+$0x80] =	vst v13;
	v13 =	vld.idx.msk [tilespmem:v10+s14+$0x0], $0xffff  }
0x1fe: {  	[tilespmem:s25+$0x10] =	vst v16;
	v9 =	vand.u32 $0x7F, v14;
	v14 =	vor.u32 $0x200, v0;
	v4 =	vand.u32 $0xFFFFFC00, v4;
	v10 =	vld.idx.msk [tilespmem:v15+s14+$0x0], $0xffff  }
0x1ff: {  	v4 =	vor.u32 v9, v4;
	v9 =	vld.idx.msk [tilespmem:v11+s14+$0x0], $0xffff;
	[tilespmem:s2+$0x290] =	vst v8  }
0x200: {  	[tilespmem:s0+$0x200] =	vst v12;
	v12 =	vld.idx.msk [tilespmem:v19+s14+$0x0], $0xffff  }
0x201: {  	v11 =	vor.u32 $0x180, v1;
	v16 =	vld.idx.msk [tilespmem:v17+s14+$0x0], $0xffff  }
0x202: {  	s4 =	simm.s32 $0x80;
	v15 =	vor.u32 $0x100, v2;
	[tilespmem:s0+$0x190] =	vst v18;
	v17 =	vld.idx.msk [tilespmem:v3+s14+$0x0], $0xffff  }
0x203: {  	v7 =	vor.u32 $0x380, v7;
	s20 =	sand.u32 $0x7E0, s4;
	v19 =	vld.idx.msk [tilespmem:v14+s14+$0x0], $0xffff  }
0x204: {  	v18 =	vor.u32 $0x300, v6;
	v14 =	vld [tilespmem:s20+$0x800]  }
0x205: {  	s26 =	sadd.s32 $0x10, s17;
	v20 =	vor.u32 $0x80, v3;
	[tilespmem:s25+$0x100] =	vst v10;
	v8 =	vld.idx.msk [tilespmem:v4+s14+$0x0], $0xffff  }
0x206: {  	s1 =	simm.s32 $0x300;
	s28 =	sor.u32 $0x300, s26;
	v11 =	vld.idx.msk [tilespmem:v11+s14+$0x0], $0xffff;
	[tilespmem:s25+$0x90] =	vst v9;
	v9 =	vor.u32 $0x280, v0  }
0x207: {  	s3 =	sand.u32 $0x60, s12;
	s21 =	sand.u32 $0x3C00, s1;
	v22 =	vor.u32 $0x200, v1;
	v21 =	vld.idx.msk [tilespmem:v15+s14+$0x0], $0xffff;
	[tilespmem:s28+$0x15000] =	vst v12  }
0x208: {  	s16 =	sor.u32 s3, s21;
	s3 =	simm.s32 $0x1;
	v23 =	vor.u32 $0x180, v2;
	[tilespmem:s0+$0x280] =	vst v16;
	v7 =	vld.idx.msk [tilespmem:v7+s14+$0x0], $0xffff  }
0x209: {  	s29 =	sand.u32 $0x3, s3;
	[tilespmem:s16+$0x15000] =	vst v17;
	v16 =	vld.idx.msk [tilespmem:v18+s14+$0x0], $0xffff  }
0x20a: {  	s8 =	sshll.u32 s29, $0x5;
	v6 =	vor.u32 $0x380, v6;
	[tilespmem:s0+$0x210] =	vst v19;
	v10 =	vld.idx.msk [tilespmem:v20+s14+$0x0], $0xffff  }
0x20b: {  	s12 =	simm.s32 $0x80;
	s30 =	sor.u32 $0x380, s17;
	s8 =	sadd.s32 $0x100, s8;
	v15 =	vor.u32 $0x100, v3;
	v9 =	vld.idx.msk [tilespmem:v9+s14+$0x0], $0xffff;
	[tilespmem:s25+$0x180] =	vst v11  }
0x20c: {  	s7 =	sor.u32 $0x380, s26;
	s6 =	simm.s32 $0x8;
	s15 =	sor.u32 $0x300, s8;
	v17 =	vor.u32 $0x80, v4;
	v11 =	vld.idx.msk [tilespmem:v22+s14+$0x0], $0xffff;
	[tilespmem:s25+$0x110] =	vst v21  }
0x20d: {  	s11 =	sadd.s32 $0x10, s8;
	s10 =	simm.s32 $0x8B0;
	s2 =	simm.s32 $0x300;
	[tilespmem:s30+$0x15000] =	vst v13;
	v12 =	vor.u32 $0x300, v0;
	v18 =	vshll.u32 v14, $0x3;
	v13 =	vld.idx.msk [tilespmem:v23+s14+$0x0], $0xffff  }
.LBB2_9:
0x20e: {  	v19 =	vld [tilespmem:s10+$0x0];
	v14 =	vand.u32 $0x7F, v14;
	v18 =	vand.u32 $0xFFFFFC00, v18;
	s9 =	sadd.s32 $0x15000, s16;
	v20 =	vor.u32 $0x280, v1;
	[tilespmem:s15+$0x15000] =	vst v16;
	s15 =	sor.u32 $0x300, s11  }
0x20f: {  	s11 =	sor.u32 $0x380, s11;
	v18 =	vor.u32 v14, v18;
	v14 =	vshll.u32 v5, $0x3;
	[tilespmem:s9+$0x80] =	vst v10;
	v6 =	vld.idx.msk [tilespmem:v6+s14+$0x0], $0xffff  }
0x210: {  	v5 =	vand.u32 $0x7F, v5;
	v10 =	vand.u32 $0xFFFFFC00, v14;
	v14 =	vld.idx.msk [tilespmem:v15+s14+$0x0], $0xffff;
	[tilespmem:s9+$0x10] =	vst v8;
	v8 =	vor.u32 $0x200, v2  }
0x211: {  	v10 =	vor.u32 v5, v10;
	v15 =	vld.idx.msk [tilespmem:v17+s14+$0x0], $0xffff;
	[tilespmem:s0+$0x290] =	vst v9;
	s0 =	smov.u32 s25;
	s25 =	smov.u32 s9  }
0x212: {  	v9 =	vor.u32 $0x180, v3;
	[tilespmem:s0+$0x200] =	vst v11;
	v11 =	vld.idx.msk [tilespmem:v12+s14+$0x0], $0xffff  }
0x213: {  	v12 =	vor.u32 $0x100, v4;
	v16 =	vld.idx.msk [tilespmem:v20+s14+$0x0], $0xffff;
	[tilespmem:s0+$0x190] =	vst v13;
	v5 =	vmov v19  }
0x214: {  	s8 =	sor.u32 $0x380, s8;
	v13 =	vld.idx.msk [tilespmem:v18+s14+$0x0], $0xffff;
	[tilespmem:s7+$0x15000] =	vst v7;
	s7 =	smov.u32 s11  }
0x215: {  	v7 =	vor.u32 $0x300, v1;
	v17 =	vld.idx.msk [tilespmem:v8+s14+$0x0], $0xffff;
	[tilespmem:s8+$0x15000] =	vst v6  }
0x216: {  	v6 =	vor.u32 $0x80, v18;
	v8 =	vld.idx.msk [tilespmem:v10+s14+$0x0], $0xffff;
	[tilespmem:s25+$0x100] =	vst v14  }
0x217: {  	s4 =	sadd.s32 $0x20, s4;
	s1 =	sadd.s32 $0x100, s1;
	v19 =	vld.idx.msk [tilespmem:v9+s14+$0x0], $0xffff;
	[tilespmem:s25+$0x90] =	vst v15;
	v9 =	vor.u32 $0x280, v2  }
0x218: {  	s9 =	sand.u32 $0x60, s12;
	s11 =	sand.u32 $0x3C00, s1;
	s8 =	sand.u32 $0x7E0, s4;
	v12 =	vld.idx.msk [tilespmem:v12+s14+$0x0], $0xffff;
	[tilespmem:s15+$0x15000] =	vst v11;
	v11 =	vor.u32 $0x380, v0;
	v0 =	vmovc v2;
	v2 =	vmov v4;
	v4 =	vmov v10  }
0x219: {  	s6 =	sadd.s32 $0x2, s6;
	s12 =	smov.u32 s4;
	v20 =	vor.u32 $0x200, v3;
	s16 =	sor.u32 s9, s11;
	v14 =	vld [tilespmem:s8+$0x800];
	[tilespmem:s0+$0x280] =	vst v16  }
0x21a: {  	p0 =	slt.u32 s6, $0x7E;
	[tilespmem:s16+$0x15000] =	vst v13;
	v13 =	vor.u32 $0x180, v2;
	v16 =	vld.idx.msk [tilespmem:v7+s14+$0x0], $0xffff  }
.Ltmp3:
0x21b: {  	s3 =	sadd.s32 $0x1, s3;
	v10 =	vld.idx.msk [tilespmem:v6+s14+$0x0], $0xffff;
	[tilespmem:s0+$0x210] =	vst v17;
	(pc) =	sbr.rel @p0 .LBB2_9-.Ltmp3, $4  }
0x21c: {  	s8 =	sand.u32 $0x3, s3;
	v6 =	vor.u32 $0x380, v1;
	v1 =	vmov v3;
	v3 =	vmov v18;
	v9 =	vld.idx.msk [tilespmem:v9+s14+$0x0], $0xffff  }
0x21d: {  	s8 =	sshll.u32 s8, $0x5;
	v15 =	vor.u32 $0x100, v3;
	[tilespmem:s25+$0x180] =	vst v19;
	v7 =	vld.idx.msk [tilespmem:v11+s14+$0x0], $0xffff  }
0x21e: {  	v17 =	vor.u32 $0x80, v4;
	s8 =	sadd.s32 s8, s24;
	s24 =	smov.u32 s2;
	s2 =	smov.u32 s1;
	v11 =	vld.idx.msk [tilespmem:v20+s14+$0x0], $0xffff;
	[tilespmem:s25+$0x110] =	vst v12  }
0x21f: {  	s10 =	sadd.s32 $0x20, s10;
	s15 =	sor.u32 $0x300, s8;
	s11 =	sadd.s32 $0x10, s8;
	v18 =	vshll.u32 v14, $0x3;
	v12 =	vor.u32 $0x300, v0;
	v13 =	vld.idx.msk [tilespmem:v13+s14+$0x0], $0xffff  }
0x220: {  	v14 =	vand.u32 $0x7F, v14;
	v18 =	vand.u32 $0xFFFFFC00, v18;
	v19 =	vshll.u32 v5, $0x3  }
0x221: {  	v22 =	vand.u32 $0x7F, v5;
	v14 =	vor.u32 v14, v18;
	v23 =	vand.u32 $0xFFFFFC00, v19  }
0x222: {  	v5 =	vor.u32 v22, v23;
	_ =	sdelay $0x3  }
0x223: {  	v24 =	vld.idx.msk [tilespmem:v14+s14+$0x0], $0xffff  }
0x224: {  	v25 =	vor.u32 $0x80, v14;
	v20 =	vld.idx.msk [tilespmem:v5+s14+$0x0], $0xffff  }
0x225: {  	s1 =	sadd.s32 $0x100, s1;
	v21 =	vor.u32 $0x80, v5  }
0x226: {  	[tilespmem:s15+$0x15000] =	vst v16;
	s6 =	sadd.s32 $0x15000, s16;
	s4 =	sand.u32 $0x60, s12;
	s9 =	sand.u32 $0x3C00, s1  }
0x227: {  	[tilespmem:s6+$0x10] =	vst v8;
	s4 =	sor.u32 s4, s9  }
0x228: {  	v8 =	vld.idx.msk [tilespmem:v17+s14+$0x0], $0xffff;
	[tilespmem:s4+$0x15000] =	vst v24;
	s4 =	sadd.s32 $0x15000, s4  }
0x229: {  	v26 =	vor.u32 $0x100, v4;
	v27 =	vld.idx.msk [tilespmem:v25+s14+$0x0], $0xffff;
	[tilespmem:s4+$0x10] =	vst v20  }
0x22a: {  	[tilespmem:s6+$0x80] =	vst v10;
	v28 =	vor.u32 $0x100, v14;
	v29 =	vld.idx.msk [tilespmem:v21+s14+$0x0], $0xffff  }
0x22b: {  	[tilespmem:s0+$0x290] =	vst v9;
	v30 =	vor.u32 $0x100, v5  }
0x22c: {  	[tilespmem:s7+$0x15000] =	vst v7  }
0x22d: {  	v31 =	vld.idx.msk [tilespmem:v15+s14+$0x0], $0xffff;
	[tilespmem:s6+$0x90] =	vst v8  }
0x22e: {  	v32 =	vor.u32 $0x180, v3;
	v33 =	vld.idx.msk [tilespmem:v26+s14+$0x0], $0xffff;
	[tilespmem:s4+$0x80] =	vst v27  }
0x22f: {  	v34 =	vor.u32 $0x180, v4;
	v10 =	vld.idx.msk [tilespmem:v28+s14+$0x0], $0xffff;
	[tilespmem:s4+$0x90] =	vst v29  }
0x230: {  	v35 =	vor.u32 $0x180, v14;
	[tilespmem:s25+$0x200] =	vst v11;
	v9 =	vld.idx.msk [tilespmem:v30+s14+$0x0], $0xffff  }
0x231: {  	v6 =	vld.idx.msk [tilespmem:v6+s14+$0x0], $0xffff;
	v36 =	vor.u32 $0x180, v5;
	[tilespmem:s25+$0x190] =	vst v13  }
0x232: {  	v37 =	vor.u32 $0x280, v1;
	v12 =	vld.idx.msk [tilespmem:v12+s14+$0x0], $0xffff;
	[tilespmem:s6+$0x100] =	vst v31  }
0x233: {  	v38 =	vor.u32 $0x200, v2;
	v8 =	vld.idx.msk [tilespmem:v32+s14+$0x0], $0xffff;
	[tilespmem:s6+$0x110] =	vst v33  }
0x234: {  	v39 =	vor.u32 $0x200, v3;
	v16 =	vld.idx.msk [tilespmem:v34+s14+$0x0], $0xffff;
	[tilespmem:s4+$0x100] =	vst v10  }
0x235: {  	s8 =	sor.u32 $0x380, s8;
	v40 =	vor.u32 $0x200, v4;
	v13 =	vld.idx.msk [tilespmem:v35+s14+$0x0], $0xffff;
	[tilespmem:s4+$0x110] =	vst v9  }
0x236: {  	s9 =	sor.u32 $0x300, s11;
	v41 =	vor.u32 $0x200, v14;
	[tilespmem:s8+$0x15000] =	vst v6;
	v7 =	vld.idx.msk [tilespmem:v36+s14+$0x0], $0xffff  }
0x237: {  	v43 =	vor.u32 $0x200, v5;
	v42 =	vld.idx.msk [tilespmem:v37+s14+$0x0], $0xffff;
	[tilespmem:s9+$0x15000] =	vst v12  }
0x238: {  	v0 =	vor.u32 $0x380, v0;
	v11 =	vld.idx.msk [tilespmem:v38+s14+$0x0], $0xffff;
	[tilespmem:s6+$0x180] =	vst v8  }
0x239: {  	v45 =	vor.u32 $0x280, v2;
	v15 =	vld.idx.msk [tilespmem:v39+s14+$0x0], $0xffff;
	[tilespmem:s6+$0x190] =	vst v16  }
0x23a: {  	v46 =	vor.u32 $0x280, v3;
	v10 =	vld.idx.msk [tilespmem:v40+s14+$0x0], $0xffff;
	[tilespmem:s4+$0x180] =	vst v13  }
0x23b: {  	v47 =	vor.u32 $0x280, v4;
	v6 =	vld.idx.msk [tilespmem:v41+s14+$0x0], $0xffff;
	[tilespmem:s4+$0x190] =	vst v7  }
0x23c: {  	v48 =	vor.u32 $0x280, v14;
	[tilespmem:s25+$0x280] =	vst v42;
	v49 =	vld.idx.msk [tilespmem:v43+s14+$0x0], $0xffff  }
0x23d: {  	v51 =	vor.u32 $0x280, v5;
	v0 =	vld.idx.msk [tilespmem:v0+s14+$0x0], $0xffff;
	[tilespmem:s25+$0x210] =	vst v11  }
0x23e: {  	v44 =	vor.u32 $0x300, v1;
	v8 =	vld.idx.msk [tilespmem:v45+s14+$0x0], $0xffff;
	[tilespmem:s6+$0x200] =	vst v15  }
0x23f: {  	v52 =	vor.u32 $0x300, v2;
	v16 =	vld.idx.msk [tilespmem:v46+s14+$0x0], $0xffff;
	[tilespmem:s6+$0x210] =	vst v10  }
0x240: {  	v53 =	vor.u32 $0x300, v3;
	v13 =	vld.idx.msk [tilespmem:v47+s14+$0x0], $0xffff;
	[tilespmem:s4+$0x200] =	vst v6  }
0x241: {  	v54 =	vor.u32 $0x300, v4;
	s15 =	sor.u32 $0x380, s11;
	v7 =	vld.idx.msk [tilespmem:v48+s14+$0x0], $0xffff;
	[tilespmem:s4+$0x210] =	vst v49  }
0x242: {  	v55 =	vor.u32 $0x300, v14;
	[tilespmem:s15+$0x15000] =	vst v0;
	v11 =	vld.idx.msk [tilespmem:v51+s14+$0x0], $0xffff  }
0x243: {  	s10 =	sadd.s32 $0x1, s3;
	v56 =	vor.u32 $0x300, v5;
	v50 =	vld.idx.msk [tilespmem:v44+s14+$0x0], $0xffff;
	[tilespmem:s25+$0x290] =	vst v8  }
0x244: {  	v57 =	vor.u32 $0x380, v1;
	s3 =	sand.u32 $0x3, s10;
	v58 =	vld.idx.msk [tilespmem:v52+s14+$0x0], $0xffff;
	[tilespmem:s6+$0x280] =	vst v16  }
0x245: {  	v59 =	vor.u32 $0x380, v2;
	s0 =	sadd.s32 $0x1, s10;
	s3 =	sshll.u32 s3, $0x5;
	v10 =	vld.idx.msk [tilespmem:v53+s14+$0x0], $0xffff;
	[tilespmem:s6+$0x290] =	vst v13  }
0x246: {  	v60 =	vor.u32 $0x380, v3;
	s16 =	sand.u32 $0x3, s0;
	s0 =	sadd.s32 $0x1, s0;
	s3 =	sadd.s32 s3, s24;
	v6 =	vld.idx.msk [tilespmem:v54+s14+$0x0], $0xffff;
	[tilespmem:s4+$0x280] =	vst v7  }
0x247: {  	v61 =	vor.u32 $0x380, v4;
	s7 =	sshll.u32 s16, $0x5;
	s12 =	sor.u32 $0x300, s3;
	s17 =	sadd.s32 $0x10, s3;
	v7 =	vld.idx.msk [tilespmem:v55+s14+$0x0], $0xffff;
	[tilespmem:s4+$0x290] =	vst v11  }
0x248: {  	v62 =	vor.u32 $0x380, v14;
	s0 =	sand.u32 $0x3, s0;
	s2 =	sadd.s32 s7, s2;
	s18 =	sor.u32 $0x300, s17;
	[tilespmem:s12+$0x15000] =	vst v50;
	v8 =	vld.idx.msk [tilespmem:v56+s14+$0x0], $0xffff  }
0x249: {  	s0 =	sshll.u32 s0, $0x5;
	s19 =	sor.u32 $0x300, s2;
	s20 =	sadd.s32 $0x10, s2;
	v5 =	vor.u32 $0x380, v5;
	v1 =	vld.idx.msk [tilespmem:v57+s14+$0x0], $0xffff;
	[tilespmem:s18+$0x15000] =	vst v58  }
0x24a: {  	s0 =	sadd.s32 s0, s1;
	s21 =	sor.u32 $0x300, s20;
	v2 =	vld.idx.msk [tilespmem:v59+s14+$0x0], $0xffff;
	[tilespmem:s19+$0x15000] =	vst v10  }
0x24b: {  	s1 =	sor.u32 $0x300, s0;
	s24 =	sadd.s32 $0x10, s0;
	v3 =	vld.idx.msk [tilespmem:v60+s14+$0x0], $0xffff;
	[tilespmem:s21+$0x15000] =	vst v6  }
0x24c: {  	s25 =	sor.u32 $0x300, s24;
	v4 =	vld.idx.msk [tilespmem:v61+s14+$0x0], $0xffff;
	[tilespmem:s1+$0x15000] =	vst v7  }
0x24d: {  	s3 =	sor.u32 $0x380, s3;
	v0 =	vld.idx.msk [tilespmem:v62+s14+$0x0], $0xffff;
	[tilespmem:s25+$0x15000] =	vst v8  }
0x24e: {  	s26 =	sor.u32 $0x380, s17;
	[tilespmem:s3+$0x15000] =	vst v1;
	v63 =	vld.idx.msk [tilespmem:v5+s14+$0x0], $0xffff  }
0x24f: {  	s2 =	sor.u32 $0x380, s2;
	[tilespmem:s26+$0x15000] =	vst v2  }
0x250: {  	s22 =	sadd.s32 $0x1, s22;
	s28 =	sor.u32 $0x380, s20;
	[tilespmem:s2+$0x15000] =	vst v3  }
0x251: {  	p0 =	sne.s32 s22, $0x20;
	s0 =	sor.u32 $0x380, s0;
	[tilespmem:s28+$0x15000] =	vst v4  }
.Ltmp4:
0x252: {  	s29 =	sor.u32 $0x380, s24;
	[tilespmem:s0+$0x15000] =	vst v0;
	(pc) =	sbr.rel @p0 .LBB2_2-.Ltmp4, $4  }
0x253: {  	[tilespmem:s29+$0x15000] =	vst v63  }
0x254: {  	s0 =	rddreg [dreg:$0x7]  }
0x255: {  	s30 =	simm.s32 $0x15000;
	s6 =	simm.s32 $0x0;
	s0 =	sadd.s32 s23, s0  }
0x256: {  	[hbm4b:s0+s6] =	stream.linear.scatter [tilespmem:s30], [sflag:$0x4], $0x4000, $0x38;
	[tilespmem:$0x19000] =	vst v63  }
0x257: {  	s0 =	simm.s32 $0x3  }
0x258: {  	_ =	swait.ge [sflag:s0], $0x4000  }
0x259: {  	[sflag:s0] =	ssyncset.done $0x0  }
0x25a: {  	s1 =	simm.s32 $0x4;
	[sflag:s0] =	ssyncadd.s32 $0xFFFFC000  }
0x25b: {  	_ =	swait.ge [sflag:s1], $0x4000  }
0x25c: {  	s2 =	rddreg [dreg:$0xa]  }
0x25d: {  	s30 =	rddreg [dreg:$0x9];
	s2 =	sadd.s32 $0x1, s2  }
0x25e: {  	p0 =	sne.s32 s2, s30  }
.Ltmp5:
0x25f: {  	_ = 	snop;
	(pc) =	sbr.rel @p0 .LBB2_1-.Ltmp5, $3  }
0x260: {  	_ =	sdelay $0x1  }
0x261: {  	[sflag:s1] =	ssyncset.done $0x0  }
0x262: {  	[sflag:s1] =	ssyncadd.s32 $0xFFFFC000  }
0x263: {  	_ =	sfence.sel $0x180000  }
0x264: {  	[bflag:$0x0] =	sbarrier.arrive $0xFFFF  }
0x265: {  	_ =	strace $0x90000047  }
0x266: {  	s0 =	stileid.u32;
	[bflag:$0x2] =	sbarrier.arrive $0xFFFF  }
0x267: {  	p0 =	sne.s32 s0, $0x0;
	s0 =	rddreg [dreg:$0x3]  }
0x268: {  	s0 =	sadd.s32 @!p0 $0x100000, s0  }
0x269: {  	[sflag:s0] =	ssyncadd.tile.s32 @!p0 $0x1;
	_ =	shalt  }
.Lfunc_end2:
_tile_overlayer_lowered:
.L_overlay_start_2:
0x26a: {  	(tag) =	ssettag $0x2  }
0x26b: {  	s0 =	rddreg [dreg:$0x0];
	s2 =	stileid.u32  }
0x26c: {  	s1 =	rddreg [dreg:$0x1];
	p0 =	sne.s32 s2, $0x0  }
0x26d: {  	s3 =	rddreg [dreg:$0x2];
	[bflag:$0x3] =	sbarrier.arrive $0xFFFF;
	s2 =	simm.s32 @!p0 $0x1C05  }
0x26e: {  	[timem:s3], [sflag:s2] =	dma.local @!p0 [hbm:s0], s1  }
0x26f: {  	s0 =	simm.s32 @!p0 $0x5  }
0x270: {  	_ =	swait.ge @!p0 [sflag:s0], s1  }
0x271: {  	s1 =	ssub.s32 @!p0 $0x0, s1;
	[sflag:s0] =	ssyncset.done @!p0 $0x0  }
0x272: {  	[sflag:s0] =	ssyncadd.s32 @!p0 s1  }
0x273: {  	[bflag:$0x3] =	sbarrier.arrive $0xFFFF  }
0x274: {  	_ =	shalt  }

</sc_bundles>
